<compile_context>
chip_gen: v7x
topology: tpu7x:2x2x1
jax: 0.10.2.dev20260603
libtpu: 0.0.44.dev20260713+nightly
codegen_flags: <defaults>
</compile_context>

<pallas_src>
import dataclasses
import functools

import jax
import jax.numpy as jnp
from jax import lax
from jax.experimental import pallas as pl
from jax.experimental.pallas import tpu as pltpu
from jax.experimental.pallas import tpu_sc as plsc

N_NODES = 10000
N_EDGES = 320000
D = 128
DH = D // 2

NC = 2
NS = 16
LANES = 16

CHUNK = 80
E_PER_S = N_EDGES // NS
G_PER_S = E_PER_S // CHUNK
RB = 200
NRB = N_NODES // RB


def _sc_segment_sum(xv, src2, dst2):
    mesh = plsc.VectorSubcoreMesh(core_axis_name="c", subcore_axis_name="s")
    cp = pltpu.CompilerParams()
    if "needs_layout_passes" in pltpu.CompilerParams.__dataclass_fields__:
        cp = dataclasses.replace(cp, needs_layout_passes=False)
    if "use_tc_tiling_on_sc" in pltpu.CompilerParams.__dataclass_fields__:
        cp = dataclasses.replace(cp, use_tc_tiling_on_sc=False)

    @functools.partial(
        pl.kernel,
        compiler_params=cp,
        out_type=(
            jax.ShapeDtypeStruct((NC, N_NODES, DH), jnp.float32),
            jax.ShapeDtypeStruct((NS, N_NODES), jnp.float32),
        ),
        mesh=mesh,
        scratch_types=[
            pltpu.VMEM((G_PER_S, CHUNK), jnp.int32),
            pltpu.VMEM((G_PER_S, CHUNK), jnp.int32),
            pltpu.VMEM((CHUNK, DH), jnp.float32),
            pltpu.VMEM((CHUNK, DH), jnp.float32),
            pltpu.VMEM((N_NODES,), jnp.float32),
            pltpu.VMEM((RB, DH), jnp.float32),
            pltpu.VMEM_SHARED((N_NODES, DH), jnp.float32),
            pltpu.SemaphoreType.DMA,
            pltpu.SemaphoreType.DMA,
        ],
    )
    def k(xv_hbm, src_hbm, dst_hbm, s_out, deg_out, src_v, dst_v,
          rows0_v, rows1_v, deg_v, zb_v, s_sh, sem0, sem1):
        cid = lax.axis_index("c")
        sid = lax.axis_index("s")

        zeros16 = jnp.zeros((LANES,), jnp.float32)
        ones16 = jnp.full((LANES,), 1.0, jnp.float32)

        @pl.loop(0, RB)
        def _(i):
            for j in range(DH // LANES):
                zb_v[i, pl.ds(j * LANES, LANES)] = zeros16

        @pl.loop(0, N_NODES // LANES)
        def _(i):
            deg_v[pl.ds(i * LANES, LANES)] = zeros16

        for t in range(pl.cdiv(NRB, NS)):
            blk = sid + NS * t
            @pl.when(blk < NRB)
            def _():
                pltpu.sync_copy(zb_v, s_sh.at[pl.ds(blk * RB, RB)])

        pltpu.sync_copy(src_hbm.at[sid], src_v)
        pltpu.sync_copy(dst_hbm.at[sid], dst_v)

        plsc.subcore_barrier()

        def xform(g):
            for j in range(CHUNK // LANES):
                sl = pl.ds(j * LANES, LANES)
                src_v[g, sl] = src_v[g, sl] * 2 + cid

        def deg_update(g):
            for j in range(CHUNK // LANES):
                idx = dst_v[g, pl.ds(j * LANES, LANES)]
                plsc.addupdate_scatter(deg_v, [idx], ones16)

        xform(0)
        xform(1)
        pltpu.async_copy(xv_hbm.at[src_v.at[0]], rows0_v, sem0)
        pltpu.async_copy(xv_hbm.at[src_v.at[1]], rows1_v, sem1)

        @pl.loop(0, G_PER_S, step=2)
        def _(g):
            @pl.when(g + 2 < G_PER_S)
            def _():
                xform(g + 2)
            pltpu.make_async_copy(
                xv_hbm.at[src_v.at[g]], rows0_v, sem0).wait()
            pltpu.sync_copy(rows0_v, s_sh.at[dst_v.at[g]], add=True)

            @pl.when(g + 2 < G_PER_S)
            def _():
                pltpu.async_copy(xv_hbm.at[src_v.at[g + 2]], rows0_v, sem0)

            @pl.when(cid == 0)
            def _():
                deg_update(g)

            @pl.when(g + 3 < G_PER_S)
            def _():
                xform(g + 3)
            pltpu.make_async_copy(
                xv_hbm.at[src_v.at[g + 1]], rows1_v, sem1).wait()
            pltpu.sync_copy(rows1_v, s_sh.at[dst_v.at[g + 1]], add=True)

            @pl.when(g + 3 < G_PER_S)
            def _():
                pltpu.async_copy(xv_hbm.at[src_v.at[g + 3]], rows1_v, sem1)

            @pl.when(cid == 0)
            def _():
                deg_update(g + 1)

        plsc.subcore_barrier()

        for t in range(pl.cdiv(NRB, NS)):
            blk = sid + NS * t
            @pl.when(blk < NRB)
            def _():
                pltpu.sync_copy(s_sh.at[pl.ds(blk * RB, RB)],
                                s_out.at[cid].at[pl.ds(blk * RB, RB)])

        @pl.when(cid == 0)
        def _():
            pltpu.sync_copy(deg_v, deg_out.at[sid])

    return k(xv, src2, dst2)


def _tc_body(x_ref, sp_ref, degp_ref, w_ref, b_ref, out_ref):
    deg = jnp.sum(degp_ref[...], axis=0)
    r = 1.0 / jnp.maximum(deg, 1.0)
    dn = (((1,), (1,)), ((), ()))
    acc = lax.dot_general(x_ref[...], w_ref[:, :D], dn,
                          preferred_element_type=jnp.float32)
    sw = lax.dot_general(sp_ref[0], w_ref[:, D:D + DH], dn,
                         preferred_element_type=jnp.float32)
    sw += lax.dot_general(sp_ref[1], w_ref[:, D + DH:], dn,
                          preferred_element_type=jnp.float32)
    out_ref[...] = acc + sw * r[:, None] + b_ref[...]


def _tc_linear(x, s_half, deg_partial, W, b2):
    return pl.pallas_call(
        _tc_body,
        out_shape=jax.ShapeDtypeStruct((N_NODES, D), jnp.float32),
    )(x, s_half, deg_partial, W, b2)


@jax.jit
def kernel(x, edge_index, W, b):
    ei = edge_index.astype(jnp.int32)
    src2 = ei[0].reshape(NS, G_PER_S, CHUNK)
    dst2 = ei[1].reshape(NS, G_PER_S, CHUNK)
    xv = x.reshape(NC * N_NODES, DH)
    s_half, deg_partial = _sc_segment_sum(xv, src2, dst2)
    return _tc_linear(x, s_half, deg_partial, W, b.reshape(1, D))

# --- scband reference (transcript-rebuilt; emitter-appended) ---
"""Pipeline reference for scband-sageconv-47760036331737 (READ-ONLY COPY).

The authoritative reference and input builder live on the scoring server;
editing this copy changes nothing except your own understanding.
"""

import jax, jax.numpy as jnp
import numpy as np

N_NODES = 10000
N_EDGES = 320000
IN_FEAT = 128
OUT_FEAT = 128


def setup_inputs(seed: int = 0) -> dict:
    key = jax.random.key(seed)
    k1, k2, k3, k4 = jax.random.split(key, 4)
    x = jax.random.normal(k1, (N_NODES, IN_FEAT), dtype=jnp.float32)
    edge_index = jax.random.randint(k2, (2, N_EDGES), 0, N_NODES, dtype=jnp.int64)
    # nn.Linear(in_feat*2, out_feat): weight [out_feat, 2*in_feat], bias [out_feat]
    bound = 1.0 / np.sqrt(2 * IN_FEAT)
    W = jax.random.uniform(k3, (OUT_FEAT, 2 * IN_FEAT), minval=-bound, maxval=bound, dtype=jnp.float32)
    b = jax.random.uniform(k4, (OUT_FEAT,), minval=-bound, maxval=bound, dtype=jnp.float32)
    return {"x": x, "edge_index": edge_index, "W": W, "b": b}


def reference(x, edge_index, W, b):
    # DGL update_all(copy_u('h','m'), mean('m','h_N')):
    # h_N[v] = mean over incoming edges (u -> v) of h[u]
    src = edge_index[0]
    dst = edge_index[1]
    msgs = jnp.take(x, src, axis=0)  # gather source features [E, d]
    summed = jax.ops.segment_sum(msgs, dst, num_segments=x.shape[0])
    deg = jax.ops.segment_sum(jnp.ones((msgs.shape[0],), dtype=x.dtype), dst, num_segments=x.shape[0])
    h_N = summed / jnp.maximum(deg, 1.0)[:, None]
    h_total = jnp.concatenate([x, h_N], axis=1)
    # dropout p=0.0 -> identity (eval)
    return h_total @ W.T + b

if __name__ == "__main__":
    import jax
    _d = setup_inputs()
    print(jax.jit(kernel)(*tuple(_d.values())))

</pallas_src>

<mosaic_0001>
#map = affine_map<(d0, d1) -> (0, 0)>
#map1 = affine_map<(d0, d1) -> (0, 0, 0)>
module attributes {stable_mosaic.version = 14 : i64} {
  func.func @k(%arg0: i32, %arg1: i32, %arg2: memref<20000x64xf32, #tpu.memory_space<hbm>>, %arg3: memref<16x250x80xi32, #tpu.memory_space<hbm>>, %arg4: memref<16x250x80xi32, #tpu.memory_space<hbm>>, %arg5: memref<2x10000x64xf32, #tpu.memory_space<hbm>>, %arg6: memref<16x10000xf32, #tpu.memory_space<hbm>>, %arg7: memref<250x80xi32, #tpu.memory_space<vmem>>, %arg8: memref<250x80xi32, #tpu.memory_space<vmem>>, %arg9: memref<80x64xf32, #tpu.memory_space<vmem>>, %arg10: memref<80x64xf32, #tpu.memory_space<vmem>>, %arg11: memref<10000xf32, #tpu.memory_space<vmem>>, %arg12: memref<200x64xf32, #tpu.memory_space<vmem>>, %arg13: memref<10000x64xf32, #tpu.memory_space<vmem_shared>>, %arg14: memref<!tpu.dma_semaphore, #tpu.memory_space<semaphore_mem>>, %arg15: memref<!tpu.dma_semaphore, #tpu.memory_space<semaphore_mem>>) attributes {dimension_semantics = [#tpu.dimension_semantics<core_parallel>, #tpu.dimension_semantics<subcore_parallel>], iteration_bounds = array<i64: 2, 16>, scalar_prefetch = 0 : i64, scratch_operands = 9 : i64, tpu.core_type = #tpu.core_type<sc_vector_subcore>, window_params = [{transform_indices = #map}, {transform_indices = #map1}, {transform_indices = #map1}, {transform_indices = #map1}, {transform_indices = #map}]} {
    %broadcast_in_dim3A = arith.constant 0.000000e+00 : f32
    %broadcast_in_dim3A_0 = vector.broadcast %broadcast_in_dim3A : f32 to vector<16xf32>
    %broadcast_in_dim3A_1 = arith.constant 1.000000e+00 : f32
    %broadcast_in_dim3A_2 = vector.broadcast %broadcast_in_dim3A_1 : f32 to vector<16xf32>
    %scan3A = arith.constant 0 : i32
    %scan3A_3 = arith.constant 200 : i32
    %scan3A_4 = arith.addi %scan3A, %scan3A_3 : i32
    %scan3A_5 = arith.constant 1 : i32
    scf.for %scan3A_214 = %scan3A to %scan3A_4 step %scan3A_5  : i32 {
      %mul3A_215 = arith.constant 1 : i32
      %mul3A_216 = arith.muli %scan3A_214, %mul3A_215 : i32
      %add3A_217 = arith.constant 0 : i32
      %add3A_218 = arith.addi %add3A_217, %mul3A_216 : i32
      %swap3A_219 = arith.index_cast %add3A_218 : i32 to index
      %swap3A_220 = arith.constant 0 : index
      %swap3A_221 = tpu.vector_load %arg12[%swap3A_219, %swap3A_220] {strides = array<i32>} : memref<200x64xf32, #tpu.memory_space<vmem>>, vector<16xf32>,
      tpu.vector_store %arg12[%swap3A_219, %swap3A_220], %broadcast_in_dim3A_0 {strides = array<i32>} : memref<200x64xf32, #tpu.memory_space<vmem>>, vector<16xf32>,
      %swap3A_222 = arith.index_cast %add3A_218 : i32 to index
      %swap3A_223 = arith.constant 16 : index
      %swap3A_224 = tpu.vector_load %arg12[%swap3A_222, %swap3A_223] {strides = array<i32>} : memref<200x64xf32, #tpu.memory_space<vmem>>, vector<16xf32>,
      tpu.vector_store %arg12[%swap3A_222, %swap3A_223], %broadcast_in_dim3A_0 {strides = array<i32>} : memref<200x64xf32, #tpu.memory_space<vmem>>, vector<16xf32>,
      %swap3A_225 = arith.index_cast %add3A_218 : i32 to index
      %swap3A_226 = arith.constant 32 : index
      %swap3A_227 = tpu.vector_load %arg12[%swap3A_225, %swap3A_226] {strides = array<i32>} : memref<200x64xf32, #tpu.memory_space<vmem>>, vector<16xf32>,
      tpu.vector_store %arg12[%swap3A_225, %swap3A_226], %broadcast_in_dim3A_0 {strides = array<i32>} : memref<200x64xf32, #tpu.memory_space<vmem>>, vector<16xf32>,
      %swap3A_228 = arith.index_cast %add3A_218 : i32 to index
      %swap3A_229 = arith.constant 48 : index
      %swap3A_230 = tpu.vector_load %arg12[%swap3A_228, %swap3A_229] {strides = array<i32>} : memref<200x64xf32, #tpu.memory_space<vmem>>, vector<16xf32>,
      tpu.vector_store %arg12[%swap3A_228, %swap3A_229], %broadcast_in_dim3A_0 {strides = array<i32>} : memref<200x64xf32, #tpu.memory_space<vmem>>, vector<16xf32>,
    }
    %scan3A_6 = arith.constant 200 : i32
    %scan3A_7 = arith.constant 0 : i32
    %scan3A_8 = arith.constant 625 : i32
    %scan3A_9 = arith.addi %scan3A_7, %scan3A_8 : i32
    %scan3A_10 = arith.constant 1 : i32
    scf.for %scan3A_214 = %scan3A_7 to %scan3A_9 step %scan3A_10  : i32 {
      %mul3A_215 = arith.constant 1 : i32
      %mul3A_216 = arith.muli %scan3A_214, %mul3A_215 : i32
      %add3A_217 = arith.constant 0 : i32
      %add3A_218 = arith.addi %add3A_217, %mul3A_216 : i32
      %mul3A_219 = arith.constant 16 : i32
      %mul3A_220 = arith.muli %add3A_218, %mul3A_219 : i32
      %swap3A_221 = arith.index_cast %mul3A_220 : i32 to index
      %swap3A_222 = tpu.vector_load %arg11[%swap3A_221] {strides = array<i32>} : memref<10000xf32, #tpu.memory_space<vmem>>, vector<16xf32>,
      tpu.vector_store %arg11[%swap3A_221], %broadcast_in_dim3A_0 {strides = array<i32>} : memref<10000xf32, #tpu.memory_space<vmem>>, vector<16xf32>,
    }
    %scan3A_11 = arith.constant 625 : i32
    %add3A = arith.constant 0 : i32
    %add3A_12 = arith.addi %arg1, %add3A : i32
    %lt3A = arith.constant 50 : i32
    %lt3A_13 = arith.cmpi slt, %add3A_12, %lt3A : i32
    %convert_element_type3A = arith.extui %lt3A_13 : i1 to i32
    %cond3A = arith.constant 0 : i32
    %cond3A_14 = arith.cmpi ne, %convert_element_type3A, %cond3A : i32
    scf.if %cond3A_14 {
      %mul3A_214 = arith.constant 200 : i32
      %mul3A_215 = arith.muli %add3A_12, %mul3A_214 : i32
      "tpu.region"() ({
        %run_scoped3A = tpu.sem_alloc : memref<!tpu.dma_semaphore, #tpu.memory_space<semaphore_mem>>
        %dma_start3A_216 = arith.constant 0 : i32
        %dma_start3A_217 = tpu.memref_slice %arg13[%mul3A_215, %dma_start3A_216] : memref<10000x64xf32, #tpu.memory_space<vmem_shared>> -> memref<200x64xf32, #tpu.memory_space<vmem_shared>>
        %dma_start3A_218 = arith.constant 0 : i32
        %dma_start3A_219 = tpu.memref_slice %arg13[%mul3A_215, %dma_start3A_218] : memref<10000x64xf32, #tpu.memory_space<vmem_shared>> -> memref<200x64xf32, #tpu.memory_space<vmem_shared>>
        tpu.enqueue_dma source(%arg12 : memref<200x64xf32, #tpu.memory_space<vmem>>) target(%dma_start3A_219 : memref<200x64xf32, #tpu.memory_space<vmem_shared>>) target_semaphore(%run_scoped3A : memref<!tpu.dma_semaphore, #tpu.memory_space<semaphore_mem>>)
        %dma_wait3A = arith.constant 0 : i32
        %dma_wait3A_220 = tpu.memref_slice %arg13[%mul3A_215, %dma_wait3A] : memref<10000x64xf32, #tpu.memory_space<vmem_shared>> -> memref<200x64xf32, #tpu.memory_space<vmem_shared>>
        %dma_wait3A_221 = arith.constant 0 : i32
        %dma_wait3A_222 = tpu.memref_slice %arg13[%mul3A_215, %dma_wait3A_221] : memref<10000x64xf32, #tpu.memory_space<vmem_shared>> -> memref<200x64xf32, #tpu.memory_space<vmem_shared>>
        tpu.wait_dma2 semaphore(%run_scoped3A : memref<!tpu.dma_semaphore, #tpu.memory_space<semaphore_mem>>) src(%arg12 : memref<200x64xf32, #tpu.memory_space<vmem>>) dst(%dma_wait3A_222 : memref<200x64xf32, #tpu.memory_space<vmem_shared>>)
        tpu.yield
      }) : () -> ()
    } else {
    }
    %add3A_15 = arith.constant 16 : i32
    %add3A_16 = arith.addi %arg1, %add3A_15 : i32
    %lt3A_17 = arith.constant 50 : i32
    %lt3A_18 = arith.cmpi slt, %add3A_16, %lt3A_17 : i32
    %convert_element_type3A_19 = arith.extui %lt3A_18 : i1 to i32
    %cond3A_20 = arith.constant 0 : i32
    %cond3A_21 = arith.cmpi ne, %convert_element_type3A_19, %cond3A_20 : i32
    scf.if %cond3A_21 {
      %mul3A_214 = arith.constant 200 : i32
      %mul3A_215 = arith.muli %add3A_16, %mul3A_214 : i32
      "tpu.region"() ({
        %run_scoped3A = tpu.sem_alloc : memref<!tpu.dma_semaphore, #tpu.memory_space<semaphore_mem>>
        %dma_start3A_216 = arith.constant 0 : i32
        %dma_start3A_217 = tpu.memref_slice %arg13[%mul3A_215, %dma_start3A_216] : memref<10000x64xf32, #tpu.memory_space<vmem_shared>> -> memref<200x64xf32, #tpu.memory_space<vmem_shared>>
        %dma_start3A_218 = arith.constant 0 : i32
        %dma_start3A_219 = tpu.memref_slice %arg13[%mul3A_215, %dma_start3A_218] : memref<10000x64xf32, #tpu.memory_space<vmem_shared>> -> memref<200x64xf32, #tpu.memory_space<vmem_shared>>
        tpu.enqueue_dma source(%arg12 : memref<200x64xf32, #tpu.memory_space<vmem>>) target(%dma_start3A_219 : memref<200x64xf32, #tpu.memory_space<vmem_shared>>) target_semaphore(%run_scoped3A : memref<!tpu.dma_semaphore, #tpu.memory_space<semaphore_mem>>)
        %dma_wait3A = arith.constant 0 : i32
        %dma_wait3A_220 = tpu.memref_slice %arg13[%mul3A_215, %dma_wait3A] : memref<10000x64xf32, #tpu.memory_space<vmem_shared>> -> memref<200x64xf32, #tpu.memory_space<vmem_shared>>
        %dma_wait3A_221 = arith.constant 0 : i32
        %dma_wait3A_222 = tpu.memref_slice %arg13[%mul3A_215, %dma_wait3A_221] : memref<10000x64xf32, #tpu.memory_space<vmem_shared>> -> memref<200x64xf32, #tpu.memory_space<vmem_shared>>
        tpu.wait_dma2 semaphore(%run_scoped3A : memref<!tpu.dma_semaphore, #tpu.memory_space<semaphore_mem>>) src(%arg12 : memref<200x64xf32, #tpu.memory_space<vmem>>) dst(%dma_wait3A_222 : memref<200x64xf32, #tpu.memory_space<vmem_shared>>)
        tpu.yield
      }) : () -> ()
    } else {
    }
    %add3A_22 = arith.constant 32 : i32
    %add3A_23 = arith.addi %arg1, %add3A_22 : i32
    %lt3A_24 = arith.constant 50 : i32
    %lt3A_25 = arith.cmpi slt, %add3A_23, %lt3A_24 : i32
    %convert_element_type3A_26 = arith.extui %lt3A_25 : i1 to i32
    %cond3A_27 = arith.constant 0 : i32
    %cond3A_28 = arith.cmpi ne, %convert_element_type3A_26, %cond3A_27 : i32
    scf.if %cond3A_28 {
      %mul3A_214 = arith.constant 200 : i32
      %mul3A_215 = arith.muli %add3A_23, %mul3A_214 : i32
      "tpu.region"() ({
        %run_scoped3A = tpu.sem_alloc : memref<!tpu.dma_semaphore, #tpu.memory_space<semaphore_mem>>
        %dma_start3A_216 = arith.constant 0 : i32
        %dma_start3A_217 = tpu.memref_slice %arg13[%mul3A_215, %dma_start3A_216] : memref<10000x64xf32, #tpu.memory_space<vmem_shared>> -> memref<200x64xf32, #tpu.memory_space<vmem_shared>>
        %dma_start3A_218 = arith.constant 0 : i32
        %dma_start3A_219 = tpu.memref_slice %arg13[%mul3A_215, %dma_start3A_218] : memref<10000x64xf32, #tpu.memory_space<vmem_shared>> -> memref<200x64xf32, #tpu.memory_space<vmem_shared>>
        tpu.enqueue_dma source(%arg12 : memref<200x64xf32, #tpu.memory_space<vmem>>) target(%dma_start3A_219 : memref<200x64xf32, #tpu.memory_space<vmem_shared>>) target_semaphore(%run_scoped3A : memref<!tpu.dma_semaphore, #tpu.memory_space<semaphore_mem>>)
        %dma_wait3A = arith.constant 0 : i32
        %dma_wait3A_220 = tpu.memref_slice %arg13[%mul3A_215, %dma_wait3A] : memref<10000x64xf32, #tpu.memory_space<vmem_shared>> -> memref<200x64xf32, #tpu.memory_space<vmem_shared>>
        %dma_wait3A_221 = arith.constant 0 : i32
        %dma_wait3A_222 = tpu.memref_slice %arg13[%mul3A_215, %dma_wait3A_221] : memref<10000x64xf32, #tpu.memory_space<vmem_shared>> -> memref<200x64xf32, #tpu.memory_space<vmem_shared>>
        tpu.wait_dma2 semaphore(%run_scoped3A : memref<!tpu.dma_semaphore, #tpu.memory_space<semaphore_mem>>) src(%arg12 : memref<200x64xf32, #tpu.memory_space<vmem>>) dst(%dma_wait3A_222 : memref<200x64xf32, #tpu.memory_space<vmem_shared>>)
        tpu.yield
      }) : () -> ()
    } else {
    }
    %add3A_29 = arith.constant 48 : i32
    %add3A_30 = arith.addi %arg1, %add3A_29 : i32
    %lt3A_31 = arith.constant 50 : i32
    %lt3A_32 = arith.cmpi slt, %add3A_30, %lt3A_31 : i32
    %convert_element_type3A_33 = arith.extui %lt3A_32 : i1 to i32
    %cond3A_34 = arith.constant 0 : i32
    %cond3A_35 = arith.cmpi ne, %convert_element_type3A_33, %cond3A_34 : i32
    scf.if %cond3A_35 {
      %mul3A_214 = arith.constant 200 : i32
      %mul3A_215 = arith.muli %add3A_30, %mul3A_214 : i32
      "tpu.region"() ({
        %run_scoped3A = tpu.sem_alloc : memref<!tpu.dma_semaphore, #tpu.memory_space<semaphore_mem>>
        %dma_start3A_216 = arith.constant 0 : i32
        %dma_start3A_217 = tpu.memref_slice %arg13[%mul3A_215, %dma_start3A_216] : memref<10000x64xf32, #tpu.memory_space<vmem_shared>> -> memref<200x64xf32, #tpu.memory_space<vmem_shared>>
        %dma_start3A_218 = arith.constant 0 : i32
        %dma_start3A_219 = tpu.memref_slice %arg13[%mul3A_215, %dma_start3A_218] : memref<10000x64xf32, #tpu.memory_space<vmem_shared>> -> memref<200x64xf32, #tpu.memory_space<vmem_shared>>
        tpu.enqueue_dma source(%arg12 : memref<200x64xf32, #tpu.memory_space<vmem>>) target(%dma_start3A_219 : memref<200x64xf32, #tpu.memory_space<vmem_shared>>) target_semaphore(%run_scoped3A : memref<!tpu.dma_semaphore, #tpu.memory_space<semaphore_mem>>)
        %dma_wait3A = arith.constant 0 : i32
        %dma_wait3A_220 = tpu.memref_slice %arg13[%mul3A_215, %dma_wait3A] : memref<10000x64xf32, #tpu.memory_space<vmem_shared>> -> memref<200x64xf32, #tpu.memory_space<vmem_shared>>
        %dma_wait3A_221 = arith.constant 0 : i32
        %dma_wait3A_222 = tpu.memref_slice %arg13[%mul3A_215, %dma_wait3A_221] : memref<10000x64xf32, #tpu.memory_space<vmem_shared>> -> memref<200x64xf32, #tpu.memory_space<vmem_shared>>
        tpu.wait_dma2 semaphore(%run_scoped3A : memref<!tpu.dma_semaphore, #tpu.memory_space<semaphore_mem>>) src(%arg12 : memref<200x64xf32, #tpu.memory_space<vmem>>) dst(%dma_wait3A_222 : memref<200x64xf32, #tpu.memory_space<vmem_shared>>)
        tpu.yield
      }) : () -> ()
    } else {
    }
    "tpu.region"() ({
      %run_scoped3A = tpu.sem_alloc : memref<!tpu.dma_semaphore, #tpu.memory_space<semaphore_mem>>
      %dma_start3A_214 = arith.constant 0 : i32
      %dma_start3A_215 = arith.constant 0 : i32
      %dma_start3A_216 = tpu.memref_slice %arg3[%arg1, %dma_start3A_214, %dma_start3A_215] : memref<16x250x80xi32, #tpu.memory_space<hbm>> -> memref<1x250x80xi32, #tpu.memory_space<hbm>>
      %dma_start3A_217 = tpu.memref_squeeze %dma_start3A_216 : memref<1x250x80xi32, #tpu.memory_space<hbm>> -> memref<250x80xi32, #tpu.memory_space<hbm>>
      %dma_start3A_218 = arith.constant 0 : i32
      %dma_start3A_219 = arith.constant 0 : i32
      %dma_start3A_220 = tpu.memref_slice %arg3[%arg1, %dma_start3A_218, %dma_start3A_219] : memref<16x250x80xi32, #tpu.memory_space<hbm>> -> memref<1x250x80xi32, #tpu.memory_space<hbm>>
      %dma_start3A_221 = tpu.memref_squeeze %dma_start3A_220 : memref<1x250x80xi32, #tpu.memory_space<hbm>> -> memref<250x80xi32, #tpu.memory_space<hbm>>
      tpu.enqueue_dma source(%dma_start3A_221 : memref<250x80xi32, #tpu.memory_space<hbm>>) target(%arg7 : memref<250x80xi32, #tpu.memory_space<vmem>>) target_semaphore(%run_scoped3A : memref<!tpu.dma_semaphore, #tpu.memory_space<semaphore_mem>>)
      %dma_wait3A = arith.constant 0 : i32
      %dma_wait3A_222 = arith.constant 0 : i32
      %dma_wait3A_223 = tpu.memref_slice %arg3[%arg1, %dma_wait3A, %dma_wait3A_222] : memref<16x250x80xi32, #tpu.memory_space<hbm>> -> memref<1x250x80xi32, #tpu.memory_space<hbm>>
      %dma_wait3A_224 = tpu.memref_squeeze %dma_wait3A_223 : memref<1x250x80xi32, #tpu.memory_space<hbm>> -> memref<250x80xi32, #tpu.memory_space<hbm>>
      %dma_wait3A_225 = arith.constant 0 : i32
      %dma_wait3A_226 = arith.constant 0 : i32
      %dma_wait3A_227 = tpu.memref_slice %arg3[%arg1, %dma_wait3A_225, %dma_wait3A_226] : memref<16x250x80xi32, #tpu.memory_space<hbm>> -> memref<1x250x80xi32, #tpu.memory_space<hbm>>
      %dma_wait3A_228 = tpu.memref_squeeze %dma_wait3A_227 : memref<1x250x80xi32, #tpu.memory_space<hbm>> -> memref<250x80xi32, #tpu.memory_space<hbm>>
      tpu.wait_dma2 semaphore(%run_scoped3A : memref<!tpu.dma_semaphore, #tpu.memory_space<semaphore_mem>>) src(%dma_wait3A_228 : memref<250x80xi32, #tpu.memory_space<hbm>>) dst(%arg7 : memref<250x80xi32, #tpu.memory_space<vmem>>)
      tpu.yield
    }) : () -> ()
    "tpu.region"() ({
      %run_scoped3A = tpu.sem_alloc : memref<!tpu.dma_semaphore, #tpu.memory_space<semaphore_mem>>
      %dma_start3A_214 = arith.constant 0 : i32
      %dma_start3A_215 = arith.constant 0 : i32
      %dma_start3A_216 = tpu.memref_slice %arg4[%arg1, %dma_start3A_214, %dma_start3A_215] : memref<16x250x80xi32, #tpu.memory_space<hbm>> -> memref<1x250x80xi32, #tpu.memory_space<hbm>>
      %dma_start3A_217 = tpu.memref_squeeze %dma_start3A_216 : memref<1x250x80xi32, #tpu.memory_space<hbm>> -> memref<250x80xi32, #tpu.memory_space<hbm>>
      %dma_start3A_218 = arith.constant 0 : i32
      %dma_start3A_219 = arith.constant 0 : i32
      %dma_start3A_220 = tpu.memref_slice %arg4[%arg1, %dma_start3A_218, %dma_start3A_219] : memref<16x250x80xi32, #tpu.memory_space<hbm>> -> memref<1x250x80xi32, #tpu.memory_space<hbm>>
      %dma_start3A_221 = tpu.memref_squeeze %dma_start3A_220 : memref<1x250x80xi32, #tpu.memory_space<hbm>> -> memref<250x80xi32, #tpu.memory_space<hbm>>
      tpu.enqueue_dma source(%dma_start3A_221 : memref<250x80xi32, #tpu.memory_space<hbm>>) target(%arg8 : memref<250x80xi32, #tpu.memory_space<vmem>>) target_semaphore(%run_scoped3A : memref<!tpu.dma_semaphore, #tpu.memory_space<semaphore_mem>>)
      %dma_wait3A = arith.constant 0 : i32
      %dma_wait3A_222 = arith.constant 0 : i32
      %dma_wait3A_223 = tpu.memref_slice %arg4[%arg1, %dma_wait3A, %dma_wait3A_222] : memref<16x250x80xi32, #tpu.memory_space<hbm>> -> memref<1x250x80xi32, #tpu.memory_space<hbm>>
      %dma_wait3A_224 = tpu.memref_squeeze %dma_wait3A_223 : memref<1x250x80xi32, #tpu.memory_space<hbm>> -> memref<250x80xi32, #tpu.memory_space<hbm>>
      %dma_wait3A_225 = arith.constant 0 : i32
      %dma_wait3A_226 = arith.constant 0 : i32
      %dma_wait3A_227 = tpu.memref_slice %arg4[%arg1, %dma_wait3A_225, %dma_wait3A_226] : memref<16x250x80xi32, #tpu.memory_space<hbm>> -> memref<1x250x80xi32, #tpu.memory_space<hbm>>
      %dma_wait3A_228 = tpu.memref_squeeze %dma_wait3A_227 : memref<1x250x80xi32, #tpu.memory_space<hbm>> -> memref<250x80xi32, #tpu.memory_space<hbm>>
      tpu.wait_dma2 semaphore(%run_scoped3A : memref<!tpu.dma_semaphore, #tpu.memory_space<semaphore_mem>>) src(%dma_wait3A_228 : memref<250x80xi32, #tpu.memory_space<hbm>>) dst(%arg8 : memref<250x80xi32, #tpu.memory_space<vmem>>)
      tpu.yield
    }) : () -> ()
    %barrier3A = arith.constant 0 : index
    tpu.barrier barrier_id(%barrier3A)
    %get3A = arith.constant 0 : i32
    %get3A_36 = arith.index_cast %get3A : i32 to index
    %get3A_37 = arith.constant 0 : index
    %get3A_38 = tpu.vector_load %arg7[%get3A_36, %get3A_37] {strides = array<i32>} : memref<250x80xi32, #tpu.memory_space<vmem>>, vector<16xi32>,
    %mul3A = arith.constant 2 : i32
    %mul3A_39 = vector.broadcast %mul3A : i32 to vector<16xi32>
    %mul3A_40 = arith.muli %get3A_38, %mul3A_39 : vector<16xi32>
    %add3A_41 = vector.broadcast %arg0 : i32 to vector<16xi32>
    %add3A_42 = arith.addi %mul3A_40, %add3A_41 : vector<16xi32>
    %swap3A = arith.constant 0 : i32
    %swap3A_43 = arith.index_cast %swap3A : i32 to index
    %swap3A_44 = arith.constant 0 : index
    %swap3A_45 = tpu.vector_load %arg7[%swap3A_43, %swap3A_44] {strides = array<i32>} : memref<250x80xi32, #tpu.memory_space<vmem>>, vector<16xi32>,
    tpu.vector_store %arg7[%swap3A_43, %swap3A_44], %add3A_42 {strides = array<i32>} : memref<250x80xi32, #tpu.memory_space<vmem>>, vector<16xi32>,
    %get3A_46 = arith.constant 0 : i32
    %get3A_47 = arith.index_cast %get3A_46 : i32 to index
    %get3A_48 = arith.constant 16 : index
    %get3A_49 = tpu.vector_load %arg7[%get3A_47, %get3A_48] {strides = array<i32>} : memref<250x80xi32, #tpu.memory_space<vmem>>, vector<16xi32>,
    %mul3A_50 = arith.constant 2 : i32
    %mul3A_51 = vector.broadcast %mul3A_50 : i32 to vector<16xi32>
    %mul3A_52 = arith.muli %get3A_49, %mul3A_51 : vector<16xi32>
    %add3A_53 = vector.broadcast %arg0 : i32 to vector<16xi32>
    %add3A_54 = arith.addi %mul3A_52, %add3A_53 : vector<16xi32>
    %swap3A_55 = arith.constant 0 : i32
    %swap3A_56 = arith.index_cast %swap3A_55 : i32 to index
    %swap3A_57 = arith.constant 16 : index
    %swap3A_58 = tpu.vector_load %arg7[%swap3A_56, %swap3A_57] {strides = array<i32>} : memref<250x80xi32, #tpu.memory_space<vmem>>, vector<16xi32>,
    tpu.vector_store %arg7[%swap3A_56, %swap3A_57], %add3A_54 {strides = array<i32>} : memref<250x80xi32, #tpu.memory_space<vmem>>, vector<16xi32>,
    %get3A_59 = arith.constant 0 : i32
    %get3A_60 = arith.index_cast %get3A_59 : i32 to index
    %get3A_61 = arith.constant 32 : index
    %get3A_62 = tpu.vector_load %arg7[%get3A_60, %get3A_61] {strides = array<i32>} : memref<250x80xi32, #tpu.memory_space<vmem>>, vector<16xi32>,
    %mul3A_63 = arith.constant 2 : i32
    %mul3A_64 = vector.broadcast %mul3A_63 : i32 to vector<16xi32>
    %mul3A_65 = arith.muli %get3A_62, %mul3A_64 : vector<16xi32>
    %add3A_66 = vector.broadcast %arg0 : i32 to vector<16xi32>
    %add3A_67 = arith.addi %mul3A_65, %add3A_66 : vector<16xi32>
    %swap3A_68 = arith.constant 0 : i32
    %swap3A_69 = arith.index_cast %swap3A_68 : i32 to index
    %swap3A_70 = arith.constant 32 : index
    %swap3A_71 = tpu.vector_load %arg7[%swap3A_69, %swap3A_70] {strides = array<i32>} : memref<250x80xi32, #tpu.memory_space<vmem>>, vector<16xi32>,
    tpu.vector_store %arg7[%swap3A_69, %swap3A_70], %add3A_67 {strides = array<i32>} : memref<250x80xi32, #tpu.memory_space<vmem>>, vector<16xi32>,
    %get3A_72 = arith.constant 0 : i32
    %get3A_73 = arith.index_cast %get3A_72 : i32 to index
    %get3A_74 = arith.constant 48 : index
    %get3A_75 = tpu.vector_load %arg7[%get3A_73, %get3A_74] {strides = array<i32>} : memref<250x80xi32, #tpu.memory_space<vmem>>, vector<16xi32>,
    %mul3A_76 = arith.constant 2 : i32
    %mul3A_77 = vector.broadcast %mul3A_76 : i32 to vector<16xi32>
    %mul3A_78 = arith.muli %get3A_75, %mul3A_77 : vector<16xi32>
    %add3A_79 = vector.broadcast %arg0 : i32 to vector<16xi32>
    %add3A_80 = arith.addi %mul3A_78, %add3A_79 : vector<16xi32>
    %swap3A_81 = arith.constant 0 : i32
    %swap3A_82 = arith.index_cast %swap3A_81 : i32 to index
    %swap3A_83 = arith.constant 48 : index
    %swap3A_84 = tpu.vector_load %arg7[%swap3A_82, %swap3A_83] {strides = array<i32>} : memref<250x80xi32, #tpu.memory_space<vmem>>, vector<16xi32>,
    tpu.vector_store %arg7[%swap3A_82, %swap3A_83], %add3A_80 {strides = array<i32>} : memref<250x80xi32, #tpu.memory_space<vmem>>, vector<16xi32>,
    %get3A_85 = arith.constant 0 : i32
    %get3A_86 = arith.index_cast %get3A_85 : i32 to index
    %get3A_87 = arith.constant 64 : index
    %get3A_88 = tpu.vector_load %arg7[%get3A_86, %get3A_87] {strides = array<i32>} : memref<250x80xi32, #tpu.memory_space<vmem>>, vector<16xi32>,
    %mul3A_89 = arith.constant 2 : i32
    %mul3A_90 = vector.broadcast %mul3A_89 : i32 to vector<16xi32>
    %mul3A_91 = arith.muli %get3A_88, %mul3A_90 : vector<16xi32>
    %add3A_92 = vector.broadcast %arg0 : i32 to vector<16xi32>
    %add3A_93 = arith.addi %mul3A_91, %add3A_92 : vector<16xi32>
    %swap3A_94 = arith.constant 0 : i32
    %swap3A_95 = arith.index_cast %swap3A_94 : i32 to index
    %swap3A_96 = arith.constant 64 : index
    %swap3A_97 = tpu.vector_load %arg7[%swap3A_95, %swap3A_96] {strides = array<i32>} : memref<250x80xi32, #tpu.memory_space<vmem>>, vector<16xi32>,
    tpu.vector_store %arg7[%swap3A_95, %swap3A_96], %add3A_93 {strides = array<i32>} : memref<250x80xi32, #tpu.memory_space<vmem>>, vector<16xi32>,
    %get3A_98 = arith.constant 1 : i32
    %get3A_99 = arith.index_cast %get3A_98 : i32 to index
    %get3A_100 = arith.constant 0 : index
    %get3A_101 = tpu.vector_load %arg7[%get3A_99, %get3A_100] {strides = array<i32>} : memref<250x80xi32, #tpu.memory_space<vmem>>, vector<16xi32>,
    %mul3A_102 = arith.constant 2 : i32
    %mul3A_103 = vector.broadcast %mul3A_102 : i32 to vector<16xi32>
    %mul3A_104 = arith.muli %get3A_101, %mul3A_103 : vector<16xi32>
    %add3A_105 = vector.broadcast %arg0 : i32 to vector<16xi32>
    %add3A_106 = arith.addi %mul3A_104, %add3A_105 : vector<16xi32>
    %swap3A_107 = arith.constant 1 : i32
    %swap3A_108 = arith.index_cast %swap3A_107 : i32 to index
    %swap3A_109 = arith.constant 0 : index
    %swap3A_110 = tpu.vector_load %arg7[%swap3A_108, %swap3A_109] {strides = array<i32>} : memref<250x80xi32, #tpu.memory_space<vmem>>, vector<16xi32>,
    tpu.vector_store %arg7[%swap3A_108, %swap3A_109], %add3A_106 {strides = array<i32>} : memref<250x80xi32, #tpu.memory_space<vmem>>, vector<16xi32>,
    %get3A_111 = arith.constant 1 : i32
    %get3A_112 = arith.index_cast %get3A_111 : i32 to index
    %get3A_113 = arith.constant 16 : index
    %get3A_114 = tpu.vector_load %arg7[%get3A_112, %get3A_113] {strides = array<i32>} : memref<250x80xi32, #tpu.memory_space<vmem>>, vector<16xi32>,
    %mul3A_115 = arith.constant 2 : i32
    %mul3A_116 = vector.broadcast %mul3A_115 : i32 to vector<16xi32>
    %mul3A_117 = arith.muli %get3A_114, %mul3A_116 : vector<16xi32>
    %add3A_118 = vector.broadcast %arg0 : i32 to vector<16xi32>
    %add3A_119 = arith.addi %mul3A_117, %add3A_118 : vector<16xi32>
    %swap3A_120 = arith.constant 1 : i32
    %swap3A_121 = arith.index_cast %swap3A_120 : i32 to index
    %swap3A_122 = arith.constant 16 : index
    %swap3A_123 = tpu.vector_load %arg7[%swap3A_121, %swap3A_122] {strides = array<i32>} : memref<250x80xi32, #tpu.memory_space<vmem>>, vector<16xi32>,
    tpu.vector_store %arg7[%swap3A_121, %swap3A_122], %add3A_119 {strides = array<i32>} : memref<250x80xi32, #tpu.memory_space<vmem>>, vector<16xi32>,
    %get3A_124 = arith.constant 1 : i32
    %get3A_125 = arith.index_cast %get3A_124 : i32 to index
    %get3A_126 = arith.constant 32 : index
    %get3A_127 = tpu.vector_load %arg7[%get3A_125, %get3A_126] {strides = array<i32>} : memref<250x80xi32, #tpu.memory_space<vmem>>, vector<16xi32>,
    %mul3A_128 = arith.constant 2 : i32
    %mul3A_129 = vector.broadcast %mul3A_128 : i32 to vector<16xi32>
    %mul3A_130 = arith.muli %get3A_127, %mul3A_129 : vector<16xi32>
    %add3A_131 = vector.broadcast %arg0 : i32 to vector<16xi32>
    %add3A_132 = arith.addi %mul3A_130, %add3A_131 : vector<16xi32>
    %swap3A_133 = arith.constant 1 : i32
    %swap3A_134 = arith.index_cast %swap3A_133 : i32 to index
    %swap3A_135 = arith.constant 32 : index
    %swap3A_136 = tpu.vector_load %arg7[%swap3A_134, %swap3A_135] {strides = array<i32>} : memref<250x80xi32, #tpu.memory_space<vmem>>, vector<16xi32>,
    tpu.vector_store %arg7[%swap3A_134, %swap3A_135], %add3A_132 {strides = array<i32>} : memref<250x80xi32, #tpu.memory_space<vmem>>, vector<16xi32>,
    %get3A_137 = arith.constant 1 : i32
    %get3A_138 = arith.index_cast %get3A_137 : i32 to index
    %get3A_139 = arith.constant 48 : index
    %get3A_140 = tpu.vector_load %arg7[%get3A_138, %get3A_139] {strides = array<i32>} : memref<250x80xi32, #tpu.memory_space<vmem>>, vector<16xi32>,
    %mul3A_141 = arith.constant 2 : i32
    %mul3A_142 = vector.broadcast %mul3A_141 : i32 to vector<16xi32>
    %mul3A_143 = arith.muli %get3A_140, %mul3A_142 : vector<16xi32>
    %add3A_144 = vector.broadcast %arg0 : i32 to vector<16xi32>
    %add3A_145 = arith.addi %mul3A_143, %add3A_144 : vector<16xi32>
    %swap3A_146 = arith.constant 1 : i32
    %swap3A_147 = arith.index_cast %swap3A_146 : i32 to index
    %swap3A_148 = arith.constant 48 : index
    %swap3A_149 = tpu.vector_load %arg7[%swap3A_147, %swap3A_148] {strides = array<i32>} : memref<250x80xi32, #tpu.memory_space<vmem>>, vector<16xi32>,
    tpu.vector_store %arg7[%swap3A_147, %swap3A_148], %add3A_145 {strides = array<i32>} : memref<250x80xi32, #tpu.memory_space<vmem>>, vector<16xi32>,
    %get3A_150 = arith.constant 1 : i32
    %get3A_151 = arith.index_cast %get3A_150 : i32 to index
    %get3A_152 = arith.constant 64 : index
    %get3A_153 = tpu.vector_load %arg7[%get3A_151, %get3A_152] {strides = array<i32>} : memref<250x80xi32, #tpu.memory_space<vmem>>, vector<16xi32>,
    %mul3A_154 = arith.constant 2 : i32
    %mul3A_155 = vector.broadcast %mul3A_154 : i32 to vector<16xi32>
    %mul3A_156 = arith.muli %get3A_153, %mul3A_155 : vector<16xi32>
    %add3A_157 = vector.broadcast %arg0 : i32 to vector<16xi32>
    %add3A_158 = arith.addi %mul3A_156, %add3A_157 : vector<16xi32>
    %swap3A_159 = arith.constant 1 : i32
    %swap3A_160 = arith.index_cast %swap3A_159 : i32 to index
    %swap3A_161 = arith.constant 64 : index
    %swap3A_162 = tpu.vector_load %arg7[%swap3A_160, %swap3A_161] {strides = array<i32>} : memref<250x80xi32, #tpu.memory_space<vmem>>, vector<16xi32>,
    tpu.vector_store %arg7[%swap3A_160, %swap3A_161], %add3A_158 {strides = array<i32>} : memref<250x80xi32, #tpu.memory_space<vmem>>, vector<16xi32>,
    %dma_start3A = arith.constant 0 : i32
    %dma_start3A_163 = arith.constant 0 : i32
    %dma_start3A_164 = tpu.memref_slice %arg7[%dma_start3A, %dma_start3A_163] : memref<250x80xi32, #tpu.memory_space<vmem>> -> memref<1x80xi32, #tpu.memory_space<vmem>>
    %dma_start3A_165 = tpu.memref_squeeze %dma_start3A_164 : memref<1x80xi32, #tpu.memory_space<vmem>> -> memref<80xi32, #tpu.memory_space<vmem>>
    %dma_start3A_166 = arith.constant 0 : i32
    %dma_start3A_167 = arith.constant 0 : i32
    %dma_start3A_168 = tpu.memref_slice %arg2[%dma_start3A_166, %dma_start3A_167] : memref<20000x64xf32, #tpu.memory_space<hbm>> -> memref<20000x64xf32, #tpu.memory_space<hbm>>
    tpu.enqueue_indirect_dma source(%dma_start3A_168 : memref<20000x64xf32, #tpu.memory_space<hbm>>) target(%arg9 : memref<80x64xf32, #tpu.memory_space<vmem>>) offsets(%dma_start3A_165 : memref<80xi32, #tpu.memory_space<vmem>>) semaphore(%arg14 : memref<!tpu.dma_semaphore, #tpu.memory_space<semaphore_mem>>)
    %dma_start3A_169 = arith.constant 1 : i32
    %dma_start3A_170 = arith.constant 0 : i32
    %dma_start3A_171 = tpu.memref_slice %arg7[%dma_start3A_169, %dma_start3A_170] : memref<250x80xi32, #tpu.memory_space<vmem>> -> memref<1x80xi32, #tpu.memory_space<vmem>>
    %dma_start3A_172 = tpu.memref_squeeze %dma_start3A_171 : memref<1x80xi32, #tpu.memory_space<vmem>> -> memref<80xi32, #tpu.memory_space<vmem>>
    %dma_start3A_173 = arith.constant 0 : i32
    %dma_start3A_174 = arith.constant 0 : i32
    %dma_start3A_175 = tpu.memref_slice %arg2[%dma_start3A_173, %dma_start3A_174] : memref<20000x64xf32, #tpu.memory_space<hbm>> -> memref<20000x64xf32, #tpu.memory_space<hbm>>
    tpu.enqueue_indirect_dma source(%dma_start3A_175 : memref<20000x64xf32, #tpu.memory_space<hbm>>) target(%arg10 : memref<80x64xf32, #tpu.memory_space<vmem>>) offsets(%dma_start3A_172 : memref<80xi32, #tpu.memory_space<vmem>>) semaphore(%arg15 : memref<!tpu.dma_semaphore, #tpu.memory_space<semaphore_mem>>)
    %scan3A_176 = arith.constant 0 : i32
    %scan3A_177 = arith.constant 125 : i32
    %scan3A_178 = arith.addi %scan3A_176, %scan3A_177 : i32
    %scan3A_179 = arith.constant 1 : i32
    scf.for %scan3A_214 = %scan3A_176 to %scan3A_178 step %scan3A_179  : i32 {
      %mul3A_215 = arith.constant 2 : i32
      %mul3A_216 = arith.muli %scan3A_214, %mul3A_215 : i32
      %add3A_217 = arith.constant 0 : i32
      %add3A_218 = arith.addi %add3A_217, %mul3A_216 : i32
      %add3A_219 = arith.constant 2 : i32
      %add3A_220 = arith.addi %add3A_218, %add3A_219 : i32
      %lt3A_221 = arith.constant 250 : i32
      %lt3A_222 = arith.cmpi slt, %add3A_220, %lt3A_221 : i32
      %convert_element_type3A_223 = arith.extui %lt3A_222 : i1 to i32
      %cond3A_224 = arith.constant 0 : i32
      %cond3A_225 = arith.cmpi ne, %convert_element_type3A_223, %cond3A_224 : i32
      scf.if %cond3A_225 {
        %add3A_272 = arith.constant 2 : i32
        %add3A_273 = arith.addi %add3A_218, %add3A_272 : i32
        %get3A_274 = arith.index_cast %add3A_273 : i32 to index
        %get3A_275 = arith.constant 0 : index
        %get3A_276 = tpu.vector_load %arg7[%get3A_274, %get3A_275] {strides = array<i32>} : memref<250x80xi32, #tpu.memory_space<vmem>>, vector<16xi32>,
        %mul3A_277 = arith.constant 2 : i32
        %mul3A_278 = vector.broadcast %mul3A_277 : i32 to vector<16xi32>
        %mul3A_279 = arith.muli %get3A_276, %mul3A_278 : vector<16xi32>
        %add3A_280 = vector.broadcast %arg0 : i32 to vector<16xi32>
        %add3A_281 = arith.addi %mul3A_279, %add3A_280 : vector<16xi32>
        %swap3A_282 = arith.index_cast %add3A_273 : i32 to index
        %swap3A_283 = arith.constant 0 : index
        %swap3A_284 = tpu.vector_load %arg7[%swap3A_282, %swap3A_283] {strides = array<i32>} : memref<250x80xi32, #tpu.memory_space<vmem>>, vector<16xi32>,
        tpu.vector_store %arg7[%swap3A_282, %swap3A_283], %add3A_281 {strides = array<i32>} : memref<250x80xi32, #tpu.memory_space<vmem>>, vector<16xi32>,
        %get3A_285 = arith.index_cast %add3A_273 : i32 to index
        %get3A_286 = arith.constant 16 : index
        %get3A_287 = tpu.vector_load %arg7[%get3A_285, %get3A_286] {strides = array<i32>} : memref<250x80xi32, #tpu.memory_space<vmem>>, vector<16xi32>,
        %mul3A_288 = arith.constant 2 : i32
        %mul3A_289 = vector.broadcast %mul3A_288 : i32 to vector<16xi32>
        %mul3A_290 = arith.muli %get3A_287, %mul3A_289 : vector<16xi32>
        %add3A_291 = vector.broadcast %arg0 : i32 to vector<16xi32>
        %add3A_292 = arith.addi %mul3A_290, %add3A_291 : vector<16xi32>
        %swap3A_293 = arith.index_cast %add3A_273 : i32 to index
        %swap3A_294 = arith.constant 16 : index
        %swap3A_295 = tpu.vector_load %arg7[%swap3A_293, %swap3A_294] {strides = array<i32>} : memref<250x80xi32, #tpu.memory_space<vmem>>, vector<16xi32>,
        tpu.vector_store %arg7[%swap3A_293, %swap3A_294], %add3A_292 {strides = array<i32>} : memref<250x80xi32, #tpu.memory_space<vmem>>, vector<16xi32>,
        %get3A_296 = arith.index_cast %add3A_273 : i32 to index
        %get3A_297 = arith.constant 32 : index
        %get3A_298 = tpu.vector_load %arg7[%get3A_296, %get3A_297] {strides = array<i32>} : memref<250x80xi32, #tpu.memory_space<vmem>>, vector<16xi32>,
        %mul3A_299 = arith.constant 2 : i32
        %mul3A_300 = vector.broadcast %mul3A_299 : i32 to vector<16xi32>
        %mul3A_301 = arith.muli %get3A_298, %mul3A_300 : vector<16xi32>
        %add3A_302 = vector.broadcast %arg0 : i32 to vector<16xi32>
        %add3A_303 = arith.addi %mul3A_301, %add3A_302 : vector<16xi32>
        %swap3A_304 = arith.index_cast %add3A_273 : i32 to index
        %swap3A_305 = arith.constant 32 : index
        %swap3A_306 = tpu.vector_load %arg7[%swap3A_304, %swap3A_305] {strides = array<i32>} : memref<250x80xi32, #tpu.memory_space<vmem>>, vector<16xi32>,
        tpu.vector_store %arg7[%swap3A_304, %swap3A_305], %add3A_303 {strides = array<i32>} : memref<250x80xi32, #tpu.memory_space<vmem>>, vector<16xi32>,
        %get3A_307 = arith.index_cast %add3A_273 : i32 to index
        %get3A_308 = arith.constant 48 : index
        %get3A_309 = tpu.vector_load %arg7[%get3A_307, %get3A_308] {strides = array<i32>} : memref<250x80xi32, #tpu.memory_space<vmem>>, vector<16xi32>,
        %mul3A_310 = arith.constant 2 : i32
        %mul3A_311 = vector.broadcast %mul3A_310 : i32 to vector<16xi32>
        %mul3A_312 = arith.muli %get3A_309, %mul3A_311 : vector<16xi32>
        %add3A_313 = vector.broadcast %arg0 : i32 to vector<16xi32>
        %add3A_314 = arith.addi %mul3A_312, %add3A_313 : vector<16xi32>
        %swap3A_315 = arith.index_cast %add3A_273 : i32 to index
        %swap3A_316 = arith.constant 48 : index
        %swap3A_317 = tpu.vector_load %arg7[%swap3A_315, %swap3A_316] {strides = array<i32>} : memref<250x80xi32, #tpu.memory_space<vmem>>, vector<16xi32>,
        tpu.vector_store %arg7[%swap3A_315, %swap3A_316], %add3A_314 {strides = array<i32>} : memref<250x80xi32, #tpu.memory_space<vmem>>, vector<16xi32>,
        %get3A_318 = arith.index_cast %add3A_273 : i32 to index
        %get3A_319 = arith.constant 64 : index
        %get3A_320 = tpu.vector_load %arg7[%get3A_318, %get3A_319] {strides = array<i32>} : memref<250x80xi32, #tpu.memory_space<vmem>>, vector<16xi32>,
        %mul3A_321 = arith.constant 2 : i32
        %mul3A_322 = vector.broadcast %mul3A_321 : i32 to vector<16xi32>
        %mul3A_323 = arith.muli %get3A_320, %mul3A_322 : vector<16xi32>
        %add3A_324 = vector.broadcast %arg0 : i32 to vector<16xi32>
        %add3A_325 = arith.addi %mul3A_323, %add3A_324 : vector<16xi32>
        %swap3A_326 = arith.index_cast %add3A_273 : i32 to index
        %swap3A_327 = arith.constant 64 : index
        %swap3A_328 = tpu.vector_load %arg7[%swap3A_326, %swap3A_327] {strides = array<i32>} : memref<250x80xi32, #tpu.memory_space<vmem>>, vector<16xi32>,
        tpu.vector_store %arg7[%swap3A_326, %swap3A_327], %add3A_325 {strides = array<i32>} : memref<250x80xi32, #tpu.memory_space<vmem>>, vector<16xi32>,
      } else {
      }
      %dma_wait3A = arith.constant 0 : i32
      %dma_wait3A_226 = tpu.memref_slice %arg7[%add3A_218, %dma_wait3A] : memref<250x80xi32, #tpu.memory_space<vmem>> -> memref<1x80xi32, #tpu.memory_space<vmem>>
      %dma_wait3A_227 = tpu.memref_squeeze %dma_wait3A_226 : memref<1x80xi32, #tpu.memory_space<vmem>> -> memref<80xi32, #tpu.memory_space<vmem>>
      %dma_wait3A_228 = arith.constant 0 : i32
      %dma_wait3A_229 = arith.constant 0 : i32
      %dma_wait3A_230 = tpu.memref_slice %arg2[%dma_wait3A_228, %dma_wait3A_229] : memref<20000x64xf32, #tpu.memory_space<hbm>> -> memref<20000x64xf32, #tpu.memory_space<hbm>>
      tpu.wait_indirect_dma semaphore(%arg14 : memref<!tpu.dma_semaphore, #tpu.memory_space<semaphore_mem>>) src(%dma_wait3A_230 : memref<20000x64xf32, #tpu.memory_space<hbm>>) dst(%arg9 : memref<80x64xf32, #tpu.memory_space<vmem>>)
      "tpu.region"() ({
        %run_scoped3A = tpu.sem_alloc : memref<!tpu.dma_semaphore, #tpu.memory_space<semaphore_mem>>
        %dma_start3A_272 = arith.constant 0 : i32
        %dma_start3A_273 = tpu.memref_slice %arg8[%add3A_218, %dma_start3A_272] : memref<250x80xi32, #tpu.memory_space<vmem>> -> memref<1x80xi32, #tpu.memory_space<vmem>>
        %dma_start3A_274 = tpu.memref_squeeze %dma_start3A_273 : memref<1x80xi32, #tpu.memory_space<vmem>> -> memref<80xi32, #tpu.memory_space<vmem>>
        %dma_start3A_275 = arith.constant 0 : i32
        %dma_start3A_276 = arith.constant 0 : i32
        %dma_start3A_277 = tpu.memref_slice %arg13[%dma_start3A_275, %dma_start3A_276] : memref<10000x64xf32, #tpu.memory_space<vmem_shared>> -> memref<10000x64xf32, #tpu.memory_space<vmem_shared>>
        tpu.enqueue_indirect_dma source(%arg9 : memref<80x64xf32, #tpu.memory_space<vmem>>) target(%dma_start3A_277 : memref<10000x64xf32, #tpu.memory_space<vmem_shared>>) offsets(%dma_start3A_274 : memref<80xi32, #tpu.memory_space<vmem>>) semaphore(%run_scoped3A : memref<!tpu.dma_semaphore, #tpu.memory_space<semaphore_mem>>) {add = true}
        %dma_wait3A_278 = arith.constant 0 : i32
        %dma_wait3A_279 = tpu.memref_slice %arg8[%add3A_218, %dma_wait3A_278] : memref<250x80xi32, #tpu.memory_space<vmem>> -> memref<1x80xi32, #tpu.memory_space<vmem>>
        %dma_wait3A_280 = tpu.memref_squeeze %dma_wait3A_279 : memref<1x80xi32, #tpu.memory_space<vmem>> -> memref<80xi32, #tpu.memory_space<vmem>>
        %dma_wait3A_281 = arith.constant 0 : i32
        %dma_wait3A_282 = arith.constant 0 : i32
        %dma_wait3A_283 = tpu.memref_slice %arg13[%dma_wait3A_281, %dma_wait3A_282] : memref<10000x64xf32, #tpu.memory_space<vmem_shared>> -> memref<10000x64xf32, #tpu.memory_space<vmem_shared>>
        tpu.wait_indirect_dma semaphore(%run_scoped3A : memref<!tpu.dma_semaphore, #tpu.memory_space<semaphore_mem>>) src(%arg9 : memref<80x64xf32, #tpu.memory_space<vmem>>) dst(%dma_wait3A_283 : memref<10000x64xf32, #tpu.memory_space<vmem_shared>>)
        tpu.yield
      }) : () -> ()
      %add3A_231 = arith.constant 2 : i32
      %add3A_232 = arith.addi %add3A_218, %add3A_231 : i32
      %lt3A_233 = arith.constant 250 : i32
      %lt3A_234 = arith.cmpi slt, %add3A_232, %lt3A_233 : i32
      %convert_element_type3A_235 = arith.extui %lt3A_234 : i1 to i32
      %cond3A_236 = arith.constant 0 : i32
      %cond3A_237 = arith.cmpi ne, %convert_element_type3A_235, %cond3A_236 : i32
      scf.if %cond3A_237 {
        %add3A_272 = arith.constant 2 : i32
        %add3A_273 = arith.addi %add3A_218, %add3A_272 : i32
        %dma_start3A_274 = arith.constant 0 : i32
        %dma_start3A_275 = tpu.memref_slice %arg7[%add3A_273, %dma_start3A_274] : memref<250x80xi32, #tpu.memory_space<vmem>> -> memref<1x80xi32, #tpu.memory_space<vmem>>
        %dma_start3A_276 = tpu.memref_squeeze %dma_start3A_275 : memref<1x80xi32, #tpu.memory_space<vmem>> -> memref<80xi32, #tpu.memory_space<vmem>>
        %dma_start3A_277 = arith.constant 0 : i32
        %dma_start3A_278 = arith.constant 0 : i32
        %dma_start3A_279 = tpu.memref_slice %arg2[%dma_start3A_277, %dma_start3A_278] : memref<20000x64xf32, #tpu.memory_space<hbm>> -> memref<20000x64xf32, #tpu.memory_space<hbm>>
        tpu.enqueue_indirect_dma source(%dma_start3A_279 : memref<20000x64xf32, #tpu.memory_space<hbm>>) target(%arg9 : memref<80x64xf32, #tpu.memory_space<vmem>>) offsets(%dma_start3A_276 : memref<80xi32, #tpu.memory_space<vmem>>) semaphore(%arg14 : memref<!tpu.dma_semaphore, #tpu.memory_space<semaphore_mem>>)
      } else {
      }
      %eq3A_238 = arith.constant 0 : i32
      %eq3A_239 = arith.cmpi eq, %arg0, %eq3A_238 : i32
      %convert_element_type3A_240 = arith.extui %eq3A_239 : i1 to i32
      %cond3A_241 = arith.constant 0 : i32
      %cond3A_242 = arith.cmpi ne, %convert_element_type3A_240, %cond3A_241 : i32
      scf.if %cond3A_242 {
        %get3A_272 = arith.index_cast %add3A_218 : i32 to index
        %get3A_273 = arith.constant 0 : index
        %get3A_274 = tpu.vector_load %arg8[%get3A_272, %get3A_273] {strides = array<i32>} : memref<250x80xi32, #tpu.memory_space<vmem>>, vector<16xi32>,
        tpu.vector_store_idx %arg11[%get3A_274], %broadcast_in_dim3A_2 {add = true} : memref<10000xf32, #tpu.memory_space<vmem>>[vector<16xi32>], vector<16xf32>,
        %get3A_275 = arith.index_cast %add3A_218 : i32 to index
        %get3A_276 = arith.constant 16 : index
        %get3A_277 = tpu.vector_load %arg8[%get3A_275, %get3A_276] {strides = array<i32>} : memref<250x80xi32, #tpu.memory_space<vmem>>, vector<16xi32>,
        tpu.vector_store_idx %arg11[%get3A_277], %broadcast_in_dim3A_2 {add = true} : memref<10000xf32, #tpu.memory_space<vmem>>[vector<16xi32>], vector<16xf32>,
        %get3A_278 = arith.index_cast %add3A_218 : i32 to index
        %get3A_279 = arith.constant 32 : index
        %get3A_280 = tpu.vector_load %arg8[%get3A_278, %get3A_279] {strides = array<i32>} : memref<250x80xi32, #tpu.memory_space<vmem>>, vector<16xi32>,
        tpu.vector_store_idx %arg11[%get3A_280], %broadcast_in_dim3A_2 {add = true} : memref<10000xf32, #tpu.memory_space<vmem>>[vector<16xi32>], vector<16xf32>,
        %get3A_281 = arith.index_cast %add3A_218 : i32 to index
        %get3A_282 = arith.constant 48 : index
        %get3A_283 = tpu.vector_load %arg8[%get3A_281, %get3A_282] {strides = array<i32>} : memref<250x80xi32, #tpu.memory_space<vmem>>, vector<16xi32>,
        tpu.vector_store_idx %arg11[%get3A_283], %broadcast_in_dim3A_2 {add = true} : memref<10000xf32, #tpu.memory_space<vmem>>[vector<16xi32>], vector<16xf32>,
        %get3A_284 = arith.index_cast %add3A_218 : i32 to index
        %get3A_285 = arith.constant 64 : index
        %get3A_286 = tpu.vector_load %arg8[%get3A_284, %get3A_285] {strides = array<i32>} : memref<250x80xi32, #tpu.memory_space<vmem>>, vector<16xi32>,
        tpu.vector_store_idx %arg11[%get3A_286], %broadcast_in_dim3A_2 {add = true} : memref<10000xf32, #tpu.memory_space<vmem>>[vector<16xi32>], vector<16xf32>,
      } else {
      }
      %add3A_243 = arith.constant 3 : i32
      %add3A_244 = arith.addi %add3A_218, %add3A_243 : i32
      %lt3A_245 = arith.constant 250 : i32
      %lt3A_246 = arith.cmpi slt, %add3A_244, %lt3A_245 : i32
      %convert_element_type3A_247 = arith.extui %lt3A_246 : i1 to i32
      %cond3A_248 = arith.constant 0 : i32
      %cond3A_249 = arith.cmpi ne, %convert_element_type3A_247, %cond3A_248 : i32
      scf.if %cond3A_249 {
        %add3A_272 = arith.constant 3 : i32
        %add3A_273 = arith.addi %add3A_218, %add3A_272 : i32
        %get3A_274 = arith.index_cast %add3A_273 : i32 to index
        %get3A_275 = arith.constant 0 : index
        %get3A_276 = tpu.vector_load %arg7[%get3A_274, %get3A_275] {strides = array<i32>} : memref<250x80xi32, #tpu.memory_space<vmem>>, vector<16xi32>,
        %mul3A_277 = arith.constant 2 : i32
        %mul3A_278 = vector.broadcast %mul3A_277 : i32 to vector<16xi32>
        %mul3A_279 = arith.muli %get3A_276, %mul3A_278 : vector<16xi32>
        %add3A_280 = vector.broadcast %arg0 : i32 to vector<16xi32>
        %add3A_281 = arith.addi %mul3A_279, %add3A_280 : vector<16xi32>
        %swap3A_282 = arith.index_cast %add3A_273 : i32 to index
        %swap3A_283 = arith.constant 0 : index
        %swap3A_284 = tpu.vector_load %arg7[%swap3A_282, %swap3A_283] {strides = array<i32>} : memref<250x80xi32, #tpu.memory_space<vmem>>, vector<16xi32>,
        tpu.vector_store %arg7[%swap3A_282, %swap3A_283], %add3A_281 {strides = array<i32>} : memref<250x80xi32, #tpu.memory_space<vmem>>, vector<16xi32>,
        %get3A_285 = arith.index_cast %add3A_273 : i32 to index
        %get3A_286 = arith.constant 16 : index
        %get3A_287 = tpu.vector_load %arg7[%get3A_285, %get3A_286] {strides = array<i32>} : memref<250x80xi32, #tpu.memory_space<vmem>>, vector<16xi32>,
        %mul3A_288 = arith.constant 2 : i32
        %mul3A_289 = vector.broadcast %mul3A_288 : i32 to vector<16xi32>
        %mul3A_290 = arith.muli %get3A_287, %mul3A_289 : vector<16xi32>
        %add3A_291 = vector.broadcast %arg0 : i32 to vector<16xi32>
        %add3A_292 = arith.addi %mul3A_290, %add3A_291 : vector<16xi32>
        %swap3A_293 = arith.index_cast %add3A_273 : i32 to index
        %swap3A_294 = arith.constant 16 : index
        %swap3A_295 = tpu.vector_load %arg7[%swap3A_293, %swap3A_294] {strides = array<i32>} : memref<250x80xi32, #tpu.memory_space<vmem>>, vector<16xi32>,
        tpu.vector_store %arg7[%swap3A_293, %swap3A_294], %add3A_292 {strides = array<i32>} : memref<250x80xi32, #tpu.memory_space<vmem>>, vector<16xi32>,
        %get3A_296 = arith.index_cast %add3A_273 : i32 to index
        %get3A_297 = arith.constant 32 : index
        %get3A_298 = tpu.vector_load %arg7[%get3A_296, %get3A_297] {strides = array<i32>} : memref<250x80xi32, #tpu.memory_space<vmem>>, vector<16xi32>,
        %mul3A_299 = arith.constant 2 : i32
        %mul3A_300 = vector.broadcast %mul3A_299 : i32 to vector<16xi32>
        %mul3A_301 = arith.muli %get3A_298, %mul3A_300 : vector<16xi32>
        %add3A_302 = vector.broadcast %arg0 : i32 to vector<16xi32>
        %add3A_303 = arith.addi %mul3A_301, %add3A_302 : vector<16xi32>
        %swap3A_304 = arith.index_cast %add3A_273 : i32 to index
        %swap3A_305 = arith.constant 32 : index
        %swap3A_306 = tpu.vector_load %arg7[%swap3A_304, %swap3A_305] {strides = array<i32>} : memref<250x80xi32, #tpu.memory_space<vmem>>, vector<16xi32>,
        tpu.vector_store %arg7[%swap3A_304, %swap3A_305], %add3A_303 {strides = array<i32>} : memref<250x80xi32, #tpu.memory_space<vmem>>, vector<16xi32>,
        %get3A_307 = arith.index_cast %add3A_273 : i32 to index
        %get3A_308 = arith.constant 48 : index
        %get3A_309 = tpu.vector_load %arg7[%get3A_307, %get3A_308] {strides = array<i32>} : memref<250x80xi32, #tpu.memory_space<vmem>>, vector<16xi32>,
        %mul3A_310 = arith.constant 2 : i32
        %mul3A_311 = vector.broadcast %mul3A_310 : i32 to vector<16xi32>
        %mul3A_312 = arith.muli %get3A_309, %mul3A_311 : vector<16xi32>
        %add3A_313 = vector.broadcast %arg0 : i32 to vector<16xi32>
        %add3A_314 = arith.addi %mul3A_312, %add3A_313 : vector<16xi32>
        %swap3A_315 = arith.index_cast %add3A_273 : i32 to index
        %swap3A_316 = arith.constant 48 : index
        %swap3A_317 = tpu.vector_load %arg7[%swap3A_315, %swap3A_316] {strides = array<i32>} : memref<250x80xi32, #tpu.memory_space<vmem>>, vector<16xi32>,
        tpu.vector_store %arg7[%swap3A_315, %swap3A_316], %add3A_314 {strides = array<i32>} : memref<250x80xi32, #tpu.memory_space<vmem>>, vector<16xi32>,
        %get3A_318 = arith.index_cast %add3A_273 : i32 to index
        %get3A_319 = arith.constant 64 : index
        %get3A_320 = tpu.vector_load %arg7[%get3A_318, %get3A_319] {strides = array<i32>} : memref<250x80xi32, #tpu.memory_space<vmem>>, vector<16xi32>,
        %mul3A_321 = arith.constant 2 : i32
        %mul3A_322 = vector.broadcast %mul3A_321 : i32 to vector<16xi32>
        %mul3A_323 = arith.muli %get3A_320, %mul3A_322 : vector<16xi32>
        %add3A_324 = vector.broadcast %arg0 : i32 to vector<16xi32>
        %add3A_325 = arith.addi %mul3A_323, %add3A_324 : vector<16xi32>
        %swap3A_326 = arith.index_cast %add3A_273 : i32 to index
        %swap3A_327 = arith.constant 64 : index
        %swap3A_328 = tpu.vector_load %arg7[%swap3A_326, %swap3A_327] {strides = array<i32>} : memref<250x80xi32, #tpu.memory_space<vmem>>, vector<16xi32>,
        tpu.vector_store %arg7[%swap3A_326, %swap3A_327], %add3A_325 {strides = array<i32>} : memref<250x80xi32, #tpu.memory_space<vmem>>, vector<16xi32>,
      } else {
      }
      %add3A_250 = arith.constant 1 : i32
      %add3A_251 = arith.addi %add3A_218, %add3A_250 : i32
      %dma_wait3A_252 = arith.constant 0 : i32
      %dma_wait3A_253 = tpu.memref_slice %arg7[%add3A_251, %dma_wait3A_252] : memref<250x80xi32, #tpu.memory_space<vmem>> -> memref<1x80xi32, #tpu.memory_space<vmem>>
      %dma_wait3A_254 = tpu.memref_squeeze %dma_wait3A_253 : memref<1x80xi32, #tpu.memory_space<vmem>> -> memref<80xi32, #tpu.memory_space<vmem>>
      %dma_wait3A_255 = arith.constant 0 : i32
      %dma_wait3A_256 = arith.constant 0 : i32
      %dma_wait3A_257 = tpu.memref_slice %arg2[%dma_wait3A_255, %dma_wait3A_256] : memref<20000x64xf32, #tpu.memory_space<hbm>> -> memref<20000x64xf32, #tpu.memory_space<hbm>>
      tpu.wait_indirect_dma semaphore(%arg15 : memref<!tpu.dma_semaphore, #tpu.memory_space<semaphore_mem>>) src(%dma_wait3A_257 : memref<20000x64xf32, #tpu.memory_space<hbm>>) dst(%arg10 : memref<80x64xf32, #tpu.memory_space<vmem>>)
      %add3A_258 = arith.constant 1 : i32
      %add3A_259 = arith.addi %add3A_218, %add3A_258 : i32
      "tpu.region"() ({
        %run_scoped3A = tpu.sem_alloc : memref<!tpu.dma_semaphore, #tpu.memory_space<semaphore_mem>>
        %dma_start3A_272 = arith.constant 0 : i32
        %dma_start3A_273 = tpu.memref_slice %arg8[%add3A_259, %dma_start3A_272] : memref<250x80xi32, #tpu.memory_space<vmem>> -> memref<1x80xi32, #tpu.memory_space<vmem>>
        %dma_start3A_274 = tpu.memref_squeeze %dma_start3A_273 : memref<1x80xi32, #tpu.memory_space<vmem>> -> memref<80xi32, #tpu.memory_space<vmem>>
        %dma_start3A_275 = arith.constant 0 : i32
        %dma_start3A_276 = arith.constant 0 : i32
        %dma_start3A_277 = tpu.memref_slice %arg13[%dma_start3A_275, %dma_start3A_276] : memref<10000x64xf32, #tpu.memory_space<vmem_shared>> -> memref<10000x64xf32, #tpu.memory_space<vmem_shared>>
        tpu.enqueue_indirect_dma source(%arg10 : memref<80x64xf32, #tpu.memory_space<vmem>>) target(%dma_start3A_277 : memref<10000x64xf32, #tpu.memory_space<vmem_shared>>) offsets(%dma_start3A_274 : memref<80xi32, #tpu.memory_space<vmem>>) semaphore(%run_scoped3A : memref<!tpu.dma_semaphore, #tpu.memory_space<semaphore_mem>>) {add = true}
        %dma_wait3A_278 = arith.constant 0 : i32
        %dma_wait3A_279 = tpu.memref_slice %arg8[%add3A_259, %dma_wait3A_278] : memref<250x80xi32, #tpu.memory_space<vmem>> -> memref<1x80xi32, #tpu.memory_space<vmem>>
        %dma_wait3A_280 = tpu.memref_squeeze %dma_wait3A_279 : memref<1x80xi32, #tpu.memory_space<vmem>> -> memref<80xi32, #tpu.memory_space<vmem>>
        %dma_wait3A_281 = arith.constant 0 : i32
        %dma_wait3A_282 = arith.constant 0 : i32
        %dma_wait3A_283 = tpu.memref_slice %arg13[%dma_wait3A_281, %dma_wait3A_282] : memref<10000x64xf32, #tpu.memory_space<vmem_shared>> -> memref<10000x64xf32, #tpu.memory_space<vmem_shared>>
        tpu.wait_indirect_dma semaphore(%run_scoped3A : memref<!tpu.dma_semaphore, #tpu.memory_space<semaphore_mem>>) src(%arg10 : memref<80x64xf32, #tpu.memory_space<vmem>>) dst(%dma_wait3A_283 : memref<10000x64xf32, #tpu.memory_space<vmem_shared>>)
        tpu.yield
      }) : () -> ()
      %add3A_260 = arith.constant 3 : i32
      %add3A_261 = arith.addi %add3A_218, %add3A_260 : i32
      %lt3A_262 = arith.constant 250 : i32
      %lt3A_263 = arith.cmpi slt, %add3A_261, %lt3A_262 : i32
      %convert_element_type3A_264 = arith.extui %lt3A_263 : i1 to i32
      %cond3A_265 = arith.constant 0 : i32
      %cond3A_266 = arith.cmpi ne, %convert_element_type3A_264, %cond3A_265 : i32
      scf.if %cond3A_266 {
        %add3A_272 = arith.constant 3 : i32
        %add3A_273 = arith.addi %add3A_218, %add3A_272 : i32
        %dma_start3A_274 = arith.constant 0 : i32
        %dma_start3A_275 = tpu.memref_slice %arg7[%add3A_273, %dma_start3A_274] : memref<250x80xi32, #tpu.memory_space<vmem>> -> memref<1x80xi32, #tpu.memory_space<vmem>>
        %dma_start3A_276 = tpu.memref_squeeze %dma_start3A_275 : memref<1x80xi32, #tpu.memory_space<vmem>> -> memref<80xi32, #tpu.memory_space<vmem>>
        %dma_start3A_277 = arith.constant 0 : i32
        %dma_start3A_278 = arith.constant 0 : i32
        %dma_start3A_279 = tpu.memref_slice %arg2[%dma_start3A_277, %dma_start3A_278] : memref<20000x64xf32, #tpu.memory_space<hbm>> -> memref<20000x64xf32, #tpu.memory_space<hbm>>
        tpu.enqueue_indirect_dma source(%dma_start3A_279 : memref<20000x64xf32, #tpu.memory_space<hbm>>) target(%arg10 : memref<80x64xf32, #tpu.memory_space<vmem>>) offsets(%dma_start3A_276 : memref<80xi32, #tpu.memory_space<vmem>>) semaphore(%arg15 : memref<!tpu.dma_semaphore, #tpu.memory_space<semaphore_mem>>)
      } else {
      }
      %eq3A_267 = arith.constant 0 : i32
      %eq3A_268 = arith.cmpi eq, %arg0, %eq3A_267 : i32
      %convert_element_type3A_269 = arith.extui %eq3A_268 : i1 to i32
      %cond3A_270 = arith.constant 0 : i32
      %cond3A_271 = arith.cmpi ne, %convert_element_type3A_269, %cond3A_270 : i32
      scf.if %cond3A_271 {
        %add3A_272 = arith.constant 1 : i32
        %add3A_273 = arith.addi %add3A_218, %add3A_272 : i32
        %get3A_274 = arith.index_cast %add3A_273 : i32 to index
        %get3A_275 = arith.constant 0 : index
        %get3A_276 = tpu.vector_load %arg8[%get3A_274, %get3A_275] {strides = array<i32>} : memref<250x80xi32, #tpu.memory_space<vmem>>, vector<16xi32>,
        tpu.vector_store_idx %arg11[%get3A_276], %broadcast_in_dim3A_2 {add = true} : memref<10000xf32, #tpu.memory_space<vmem>>[vector<16xi32>], vector<16xf32>,
        %get3A_277 = arith.index_cast %add3A_273 : i32 to index
        %get3A_278 = arith.constant 16 : index
        %get3A_279 = tpu.vector_load %arg8[%get3A_277, %get3A_278] {strides = array<i32>} : memref<250x80xi32, #tpu.memory_space<vmem>>, vector<16xi32>,
        tpu.vector_store_idx %arg11[%get3A_279], %broadcast_in_dim3A_2 {add = true} : memref<10000xf32, #tpu.memory_space<vmem>>[vector<16xi32>], vector<16xf32>,
        %get3A_280 = arith.index_cast %add3A_273 : i32 to index
        %get3A_281 = arith.constant 32 : index
        %get3A_282 = tpu.vector_load %arg8[%get3A_280, %get3A_281] {strides = array<i32>} : memref<250x80xi32, #tpu.memory_space<vmem>>, vector<16xi32>,
        tpu.vector_store_idx %arg11[%get3A_282], %broadcast_in_dim3A_2 {add = true} : memref<10000xf32, #tpu.memory_space<vmem>>[vector<16xi32>], vector<16xf32>,
        %get3A_283 = arith.index_cast %add3A_273 : i32 to index
        %get3A_284 = arith.constant 48 : index
        %get3A_285 = tpu.vector_load %arg8[%get3A_283, %get3A_284] {strides = array<i32>} : memref<250x80xi32, #tpu.memory_space<vmem>>, vector<16xi32>,
        tpu.vector_store_idx %arg11[%get3A_285], %broadcast_in_dim3A_2 {add = true} : memref<10000xf32, #tpu.memory_space<vmem>>[vector<16xi32>], vector<16xf32>,
        %get3A_286 = arith.index_cast %add3A_273 : i32 to index
        %get3A_287 = arith.constant 64 : index
        %get3A_288 = tpu.vector_load %arg8[%get3A_286, %get3A_287] {strides = array<i32>} : memref<250x80xi32, #tpu.memory_space<vmem>>, vector<16xi32>,
        tpu.vector_store_idx %arg11[%get3A_288], %broadcast_in_dim3A_2 {add = true} : memref<10000xf32, #tpu.memory_space<vmem>>[vector<16xi32>], vector<16xf32>,
      } else {
      }
    }
    %scan3A_180 = arith.constant 125 : i32
    %barrier3A_181 = arith.constant 0 : index
    tpu.barrier barrier_id(%barrier3A_181)
    %add3A_182 = arith.constant 0 : i32
    %add3A_183 = arith.addi %arg1, %add3A_182 : i32
    %lt3A_184 = arith.constant 50 : i32
    %lt3A_185 = arith.cmpi slt, %add3A_183, %lt3A_184 : i32
    %convert_element_type3A_186 = arith.extui %lt3A_185 : i1 to i32
    %cond3A_187 = arith.constant 0 : i32
    %cond3A_188 = arith.cmpi ne, %convert_element_type3A_186, %cond3A_187 : i32
    scf.if %cond3A_188 {
      %mul3A_214 = arith.constant 200 : i32
      %mul3A_215 = arith.muli %add3A_183, %mul3A_214 : i32
      %mul3A_216 = arith.constant 200 : i32
      %mul3A_217 = arith.muli %add3A_183, %mul3A_216 : i32
      "tpu.region"() ({
        %run_scoped3A = tpu.sem_alloc : memref<!tpu.dma_semaphore, #tpu.memory_space<semaphore_mem>>
        %dma_start3A_218 = arith.constant 0 : i32
        %dma_start3A_219 = arith.constant 0 : i32
        %dma_start3A_220 = tpu.memref_slice %arg5[%arg0, %dma_start3A_218, %dma_start3A_219] : memref<2x10000x64xf32, #tpu.memory_space<hbm>> -> memref<1x10000x64xf32, #tpu.memory_space<hbm>>
        %dma_start3A_221 = tpu.memref_squeeze %dma_start3A_220 : memref<1x10000x64xf32, #tpu.memory_space<hbm>> -> memref<10000x64xf32, #tpu.memory_space<hbm>>
        %dma_start3A_222 = arith.constant 0 : i32
        %dma_start3A_223 = tpu.memref_slice %dma_start3A_221[%mul3A_217, %dma_start3A_222] : memref<10000x64xf32, #tpu.memory_space<hbm>> -> memref<200x64xf32, #tpu.memory_space<hbm>>
        %dma_start3A_224 = arith.constant 0 : i32
        %dma_start3A_225 = tpu.memref_slice %arg13[%mul3A_215, %dma_start3A_224] : memref<10000x64xf32, #tpu.memory_space<vmem_shared>> -> memref<200x64xf32, #tpu.memory_space<vmem_shared>>
        tpu.enqueue_dma source(%dma_start3A_225 : memref<200x64xf32, #tpu.memory_space<vmem_shared>>) target(%dma_start3A_223 : memref<200x64xf32, #tpu.memory_space<hbm>>) target_semaphore(%run_scoped3A : memref<!tpu.dma_semaphore, #tpu.memory_space<semaphore_mem>>)
        %dma_wait3A = arith.constant 0 : i32
        %dma_wait3A_226 = arith.constant 0 : i32
        %dma_wait3A_227 = tpu.memref_slice %arg5[%arg0, %dma_wait3A, %dma_wait3A_226] : memref<2x10000x64xf32, #tpu.memory_space<hbm>> -> memref<1x10000x64xf32, #tpu.memory_space<hbm>>
        %dma_wait3A_228 = tpu.memref_squeeze %dma_wait3A_227 : memref<1x10000x64xf32, #tpu.memory_space<hbm>> -> memref<10000x64xf32, #tpu.memory_space<hbm>>
        %dma_wait3A_229 = arith.constant 0 : i32
        %dma_wait3A_230 = tpu.memref_slice %dma_wait3A_228[%mul3A_217, %dma_wait3A_229] : memref<10000x64xf32, #tpu.memory_space<hbm>> -> memref<200x64xf32, #tpu.memory_space<hbm>>
        %dma_wait3A_231 = arith.constant 0 : i32
        %dma_wait3A_232 = tpu.memref_slice %arg13[%mul3A_215, %dma_wait3A_231] : memref<10000x64xf32, #tpu.memory_space<vmem_shared>> -> memref<200x64xf32, #tpu.memory_space<vmem_shared>>
        tpu.wait_dma2 semaphore(%run_scoped3A : memref<!tpu.dma_semaphore, #tpu.memory_space<semaphore_mem>>) src(%dma_wait3A_232 : memref<200x64xf32, #tpu.memory_space<vmem_shared>>) dst(%dma_wait3A_230 : memref<200x64xf32, #tpu.memory_space<hbm>>)
        tpu.yield
      }) : () -> ()
    } else {
    }
    %add3A_189 = arith.constant 16 : i32
    %add3A_190 = arith.addi %arg1, %add3A_189 : i32
    %lt3A_191 = arith.constant 50 : i32
    %lt3A_192 = arith.cmpi slt, %add3A_190, %lt3A_191 : i32
    %convert_element_type3A_193 = arith.extui %lt3A_192 : i1 to i32
    %cond3A_194 = arith.constant 0 : i32
    %cond3A_195 = arith.cmpi ne, %convert_element_type3A_193, %cond3A_194 : i32
    scf.if %cond3A_195 {
      %mul3A_214 = arith.constant 200 : i32
      %mul3A_215 = arith.muli %add3A_190, %mul3A_214 : i32
      %mul3A_216 = arith.constant 200 : i32
      %mul3A_217 = arith.muli %add3A_190, %mul3A_216 : i32
      "tpu.region"() ({
        %run_scoped3A = tpu.sem_alloc : memref<!tpu.dma_semaphore, #tpu.memory_space<semaphore_mem>>
        %dma_start3A_218 = arith.constant 0 : i32
        %dma_start3A_219 = arith.constant 0 : i32
        %dma_start3A_220 = tpu.memref_slice %arg5[%arg0, %dma_start3A_218, %dma_start3A_219] : memref<2x10000x64xf32, #tpu.memory_space<hbm>> -> memref<1x10000x64xf32, #tpu.memory_space<hbm>>
        %dma_start3A_221 = tpu.memref_squeeze %dma_start3A_220 : memref<1x10000x64xf32, #tpu.memory_space<hbm>> -> memref<10000x64xf32, #tpu.memory_space<hbm>>
        %dma_start3A_222 = arith.constant 0 : i32
        %dma_start3A_223 = tpu.memref_slice %dma_start3A_221[%mul3A_217, %dma_start3A_222] : memref<10000x64xf32, #tpu.memory_space<hbm>> -> memref<200x64xf32, #tpu.memory_space<hbm>>
        %dma_start3A_224 = arith.constant 0 : i32
        %dma_start3A_225 = tpu.memref_slice %arg13[%mul3A_215, %dma_start3A_224] : memref<10000x64xf32, #tpu.memory_space<vmem_shared>> -> memref<200x64xf32, #tpu.memory_space<vmem_shared>>
        tpu.enqueue_dma source(%dma_start3A_225 : memref<200x64xf32, #tpu.memory_space<vmem_shared>>) target(%dma_start3A_223 : memref<200x64xf32, #tpu.memory_space<hbm>>) target_semaphore(%run_scoped3A : memref<!tpu.dma_semaphore, #tpu.memory_space<semaphore_mem>>)
        %dma_wait3A = arith.constant 0 : i32
        %dma_wait3A_226 = arith.constant 0 : i32
        %dma_wait3A_227 = tpu.memref_slice %arg5[%arg0, %dma_wait3A, %dma_wait3A_226] : memref<2x10000x64xf32, #tpu.memory_space<hbm>> -> memref<1x10000x64xf32, #tpu.memory_space<hbm>>
        %dma_wait3A_228 = tpu.memref_squeeze %dma_wait3A_227 : memref<1x10000x64xf32, #tpu.memory_space<hbm>> -> memref<10000x64xf32, #tpu.memory_space<hbm>>
        %dma_wait3A_229 = arith.constant 0 : i32
        %dma_wait3A_230 = tpu.memref_slice %dma_wait3A_228[%mul3A_217, %dma_wait3A_229] : memref<10000x64xf32, #tpu.memory_space<hbm>> -> memref<200x64xf32, #tpu.memory_space<hbm>>
        %dma_wait3A_231 = arith.constant 0 : i32
        %dma_wait3A_232 = tpu.memref_slice %arg13[%mul3A_215, %dma_wait3A_231] : memref<10000x64xf32, #tpu.memory_space<vmem_shared>> -> memref<200x64xf32, #tpu.memory_space<vmem_shared>>
        tpu.wait_dma2 semaphore(%run_scoped3A : memref<!tpu.dma_semaphore, #tpu.memory_space<semaphore_mem>>) src(%dma_wait3A_232 : memref<200x64xf32, #tpu.memory_space<vmem_shared>>) dst(%dma_wait3A_230 : memref<200x64xf32, #tpu.memory_space<hbm>>)
        tpu.yield
      }) : () -> ()
    } else {
    }
    %add3A_196 = arith.constant 32 : i32
    %add3A_197 = arith.addi %arg1, %add3A_196 : i32
    %lt3A_198 = arith.constant 50 : i32
    %lt3A_199 = arith.cmpi slt, %add3A_197, %lt3A_198 : i32
    %convert_element_type3A_200 = arith.extui %lt3A_199 : i1 to i32
    %cond3A_201 = arith.constant 0 : i32
    %cond3A_202 = arith.cmpi ne, %convert_element_type3A_200, %cond3A_201 : i32
    scf.if %cond3A_202 {
      %mul3A_214 = arith.constant 200 : i32
      %mul3A_215 = arith.muli %add3A_197, %mul3A_214 : i32
      %mul3A_216 = arith.constant 200 : i32
      %mul3A_217 = arith.muli %add3A_197, %mul3A_216 : i32
      "tpu.region"() ({
        %run_scoped3A = tpu.sem_alloc : memref<!tpu.dma_semaphore, #tpu.memory_space<semaphore_mem>>
        %dma_start3A_218 = arith.constant 0 : i32
        %dma_start3A_219 = arith.constant 0 : i32
        %dma_start3A_220 = tpu.memref_slice %arg5[%arg0, %dma_start3A_218, %dma_start3A_219] : memref<2x10000x64xf32, #tpu.memory_space<hbm>> -> memref<1x10000x64xf32, #tpu.memory_space<hbm>>
        %dma_start3A_221 = tpu.memref_squeeze %dma_start3A_220 : memref<1x10000x64xf32, #tpu.memory_space<hbm>> -> memref<10000x64xf32, #tpu.memory_space<hbm>>
        %dma_start3A_222 = arith.constant 0 : i32
        %dma_start3A_223 = tpu.memref_slice %dma_start3A_221[%mul3A_217, %dma_start3A_222] : memref<10000x64xf32, #tpu.memory_space<hbm>> -> memref<200x64xf32, #tpu.memory_space<hbm>>
        %dma_start3A_224 = arith.constant 0 : i32
        %dma_start3A_225 = tpu.memref_slice %arg13[%mul3A_215, %dma_start3A_224] : memref<10000x64xf32, #tpu.memory_space<vmem_shared>> -> memref<200x64xf32, #tpu.memory_space<vmem_shared>>
        tpu.enqueue_dma source(%dma_start3A_225 : memref<200x64xf32, #tpu.memory_space<vmem_shared>>) target(%dma_start3A_223 : memref<200x64xf32, #tpu.memory_space<hbm>>) target_semaphore(%run_scoped3A : memref<!tpu.dma_semaphore, #tpu.memory_space<semaphore_mem>>)
        %dma_wait3A = arith.constant 0 : i32
        %dma_wait3A_226 = arith.constant 0 : i32
        %dma_wait3A_227 = tpu.memref_slice %arg5[%arg0, %dma_wait3A, %dma_wait3A_226] : memref<2x10000x64xf32, #tpu.memory_space<hbm>> -> memref<1x10000x64xf32, #tpu.memory_space<hbm>>
        %dma_wait3A_228 = tpu.memref_squeeze %dma_wait3A_227 : memref<1x10000x64xf32, #tpu.memory_space<hbm>> -> memref<10000x64xf32, #tpu.memory_space<hbm>>
        %dma_wait3A_229 = arith.constant 0 : i32
        %dma_wait3A_230 = tpu.memref_slice %dma_wait3A_228[%mul3A_217, %dma_wait3A_229] : memref<10000x64xf32, #tpu.memory_space<hbm>> -> memref<200x64xf32, #tpu.memory_space<hbm>>
        %dma_wait3A_231 = arith.constant 0 : i32
        %dma_wait3A_232 = tpu.memref_slice %arg13[%mul3A_215, %dma_wait3A_231] : memref<10000x64xf32, #tpu.memory_space<vmem_shared>> -> memref<200x64xf32, #tpu.memory_space<vmem_shared>>
        tpu.wait_dma2 semaphore(%run_scoped3A : memref<!tpu.dma_semaphore, #tpu.memory_space<semaphore_mem>>) src(%dma_wait3A_232 : memref<200x64xf32, #tpu.memory_space<vmem_shared>>) dst(%dma_wait3A_230 : memref<200x64xf32, #tpu.memory_space<hbm>>)
        tpu.yield
      }) : () -> ()
    } else {
    }
    %add3A_203 = arith.constant 48 : i32
    %add3A_204 = arith.addi %arg1, %add3A_203 : i32
    %lt3A_205 = arith.constant 50 : i32
    %lt3A_206 = arith.cmpi slt, %add3A_204, %lt3A_205 : i32
    %convert_element_type3A_207 = arith.extui %lt3A_206 : i1 to i32
    %cond3A_208 = arith.constant 0 : i32
    %cond3A_209 = arith.cmpi ne, %convert_element_type3A_207, %cond3A_208 : i32
    scf.if %cond3A_209 {
      %mul3A_214 = arith.constant 200 : i32
      %mul3A_215 = arith.muli %add3A_204, %mul3A_214 : i32
      %mul3A_216 = arith.constant 200 : i32
      %mul3A_217 = arith.muli %add3A_204, %mul3A_216 : i32
      "tpu.region"() ({
        %run_scoped3A = tpu.sem_alloc : memref<!tpu.dma_semaphore, #tpu.memory_space<semaphore_mem>>
        %dma_start3A_218 = arith.constant 0 : i32
        %dma_start3A_219 = arith.constant 0 : i32
        %dma_start3A_220 = tpu.memref_slice %arg5[%arg0, %dma_start3A_218, %dma_start3A_219] : memref<2x10000x64xf32, #tpu.memory_space<hbm>> -> memref<1x10000x64xf32, #tpu.memory_space<hbm>>
        %dma_start3A_221 = tpu.memref_squeeze %dma_start3A_220 : memref<1x10000x64xf32, #tpu.memory_space<hbm>> -> memref<10000x64xf32, #tpu.memory_space<hbm>>
        %dma_start3A_222 = arith.constant 0 : i32
        %dma_start3A_223 = tpu.memref_slice %dma_start3A_221[%mul3A_217, %dma_start3A_222] : memref<10000x64xf32, #tpu.memory_space<hbm>> -> memref<200x64xf32, #tpu.memory_space<hbm>>
        %dma_start3A_224 = arith.constant 0 : i32
        %dma_start3A_225 = tpu.memref_slice %arg13[%mul3A_215, %dma_start3A_224] : memref<10000x64xf32, #tpu.memory_space<vmem_shared>> -> memref<200x64xf32, #tpu.memory_space<vmem_shared>>
        tpu.enqueue_dma source(%dma_start3A_225 : memref<200x64xf32, #tpu.memory_space<vmem_shared>>) target(%dma_start3A_223 : memref<200x64xf32, #tpu.memory_space<hbm>>) target_semaphore(%run_scoped3A : memref<!tpu.dma_semaphore, #tpu.memory_space<semaphore_mem>>)
        %dma_wait3A = arith.constant 0 : i32
        %dma_wait3A_226 = arith.constant 0 : i32
        %dma_wait3A_227 = tpu.memref_slice %arg5[%arg0, %dma_wait3A, %dma_wait3A_226] : memref<2x10000x64xf32, #tpu.memory_space<hbm>> -> memref<1x10000x64xf32, #tpu.memory_space<hbm>>
        %dma_wait3A_228 = tpu.memref_squeeze %dma_wait3A_227 : memref<1x10000x64xf32, #tpu.memory_space<hbm>> -> memref<10000x64xf32, #tpu.memory_space<hbm>>
        %dma_wait3A_229 = arith.constant 0 : i32
        %dma_wait3A_230 = tpu.memref_slice %dma_wait3A_228[%mul3A_217, %dma_wait3A_229] : memref<10000x64xf32, #tpu.memory_space<hbm>> -> memref<200x64xf32, #tpu.memory_space<hbm>>
        %dma_wait3A_231 = arith.constant 0 : i32
        %dma_wait3A_232 = tpu.memref_slice %arg13[%mul3A_215, %dma_wait3A_231] : memref<10000x64xf32, #tpu.memory_space<vmem_shared>> -> memref<200x64xf32, #tpu.memory_space<vmem_shared>>
        tpu.wait_dma2 semaphore(%run_scoped3A : memref<!tpu.dma_semaphore, #tpu.memory_space<semaphore_mem>>) src(%dma_wait3A_232 : memref<200x64xf32, #tpu.memory_space<vmem_shared>>) dst(%dma_wait3A_230 : memref<200x64xf32, #tpu.memory_space<hbm>>)
        tpu.yield
      }) : () -> ()
    } else {
    }
    %eq3A = arith.constant 0 : i32
    %eq3A_210 = arith.cmpi eq, %arg0, %eq3A : i32
    %convert_element_type3A_211 = arith.extui %eq3A_210 : i1 to i32
    %cond3A_212 = arith.constant 0 : i32
    %cond3A_213 = arith.cmpi ne, %convert_element_type3A_211, %cond3A_212 : i32
    scf.if %cond3A_213 {
      "tpu.region"() ({
        %run_scoped3A = tpu.sem_alloc : memref<!tpu.dma_semaphore, #tpu.memory_space<semaphore_mem>>
        %dma_start3A_214 = arith.constant 0 : i32
        %dma_start3A_215 = tpu.memref_slice %arg6[%arg1, %dma_start3A_214] : memref<16x10000xf32, #tpu.memory_space<hbm>> -> memref<1x10000xf32, #tpu.memory_space<hbm>>
        %dma_start3A_216 = tpu.memref_squeeze %dma_start3A_215 : memref<1x10000xf32, #tpu.memory_space<hbm>> -> memref<10000xf32, #tpu.memory_space<hbm>>
        %dma_start3A_217 = arith.constant 0 : i32
        %dma_start3A_218 = tpu.memref_slice %arg6[%arg1, %dma_start3A_217] : memref<16x10000xf32, #tpu.memory_space<hbm>> -> memref<1x10000xf32, #tpu.memory_space<hbm>>
        %dma_start3A_219 = tpu.memref_squeeze %dma_start3A_218 : memref<1x10000xf32, #tpu.memory_space<hbm>> -> memref<10000xf32, #tpu.memory_space<hbm>>
        tpu.enqueue_dma source(%arg11 : memref<10000xf32, #tpu.memory_space<vmem>>) target(%dma_start3A_219 : memref<10000xf32, #tpu.memory_space<hbm>>) target_semaphore(%run_scoped3A : memref<!tpu.dma_semaphore, #tpu.memory_space<semaphore_mem>>)
        %dma_wait3A = arith.constant 0 : i32
        %dma_wait3A_220 = tpu.memref_slice %arg6[%arg1, %dma_wait3A] : memref<16x10000xf32, #tpu.memory_space<hbm>> -> memref<1x10000xf32, #tpu.memory_space<hbm>>
        %dma_wait3A_221 = tpu.memref_squeeze %dma_wait3A_220 : memref<1x10000xf32, #tpu.memory_space<hbm>> -> memref<10000xf32, #tpu.memory_space<hbm>>
        %dma_wait3A_222 = arith.constant 0 : i32
        %dma_wait3A_223 = tpu.memref_slice %arg6[%arg1, %dma_wait3A_222] : memref<16x10000xf32, #tpu.memory_space<hbm>> -> memref<1x10000xf32, #tpu.memory_space<hbm>>
        %dma_wait3A_224 = tpu.memref_squeeze %dma_wait3A_223 : memref<1x10000xf32, #tpu.memory_space<hbm>> -> memref<10000xf32, #tpu.memory_space<hbm>>
        tpu.wait_dma2 semaphore(%run_scoped3A : memref<!tpu.dma_semaphore, #tpu.memory_space<semaphore_mem>>) src(%arg11 : memref<10000xf32, #tpu.memory_space<vmem>>) dst(%dma_wait3A_224 : memref<10000xf32, #tpu.memory_space<hbm>>)
        tpu.yield
      }) : () -> ()
    } else {
    }
    return
  }
}

module attributes {stable_mosaic.version = 14 : i64} {
  func.func @_tc_body(%arg0: memref<10000x128xf32, #tpu.memory_space<vmem>>, %arg1: memref<2x10000x64xf32, #tpu.memory_space<vmem>>, %arg2: memref<16x10000xf32, #tpu.memory_space<vmem>>, %arg3: memref<128x256xf32, #tpu.memory_space<vmem>>, %arg4: memref<1x128xf32, #tpu.memory_space<vmem>>, %arg5: memref<10000x128xf32, #tpu.memory_space<vmem>>) attributes {dimension_semantics = [], scalar_prefetch = 0 : i64, scratch_operands = 0 : i64, tpu.core_type = #tpu.core_type<tc>} {
    %get3A = arith.constant 0 : index
    %get3A_0 = arith.constant 0 : index
    %get3A_1 = vector.load %arg2[%get3A, %get3A_0] : memref<16x10000xf32, #tpu.memory_space<vmem>>, vector<16x10000xf32>
    %reduce_sum3A = arith.constant dense<0.000000e+00> : vector<10000xf32>
    %reduce_sum3A_2 = vector.multi_reduction <add>, %get3A_1, %reduce_sum3A [0] : vector<16x10000xf32> to vector<10000xf32>
    %max3A = arith.constant 1.000000e+00 : f32
    %max3A_3 = vector.broadcast %max3A : f32 to vector<10000xf32>
    %max3A_4 = arith.maximumf %reduce_sum3A_2, %max3A_3 : vector<10000xf32>
    %div3A = arith.constant 1.000000e+00 : f32
    %div3A_5 = vector.broadcast %div3A : f32 to vector<10000xf32>
    %div3A_6 = arith.divf %div3A_5, %max3A_4 : vector<10000xf32>
    %get3A_7 = arith.constant 0 : index
    %get3A_8 = arith.constant 0 : index
    %get3A_9 = vector.load %arg0[%get3A_7, %get3A_8] : memref<10000x128xf32, #tpu.memory_space<vmem>>, vector<10000x128xf32>
    %get3A_10 = arith.constant 0 : index
    %get3A_11 = arith.constant 0 : index
    %get3A_12 = vector.load %arg3[%get3A_10, %get3A_11] : memref<128x256xf32, #tpu.memory_space<vmem>>, vector<128x128xf32>
    %dot_general3A = arith.constant dense<0.000000e+00> : vector<10000x128xf32>
    %dot_general3A_13 = tpu.matmul %get3A_9, %get3A_12, %dot_general3A {dimension_numbers = #tpu.dot_dimension_numbers<[1], [1], [0], [0], [0, 0, 1, 0], [], []>, transpose_lhs_hint = false} : vector<10000x128xf32>, vector<128x128xf32>, vector<10000x128xf32> -> vector<10000x128xf32>
    %get3A_14 = arith.constant 0 : index
    %get3A_15 = arith.constant 0 : index
    %get3A_16 = arith.constant 0 : index
    %get3A_17 = vector.load %arg1[%get3A_14, %get3A_15, %get3A_16] : memref<2x10000x64xf32, #tpu.memory_space<vmem>>, vector<1x10000x64xf32>
    %get3A_18 = vector.shape_cast %get3A_17 : vector<1x10000x64xf32> to vector<10000x64xf32>
    %get3A_19 = arith.constant 0 : index
    %get3A_20 = arith.constant 128 : index
    %get3A_21 = vector.load %arg3[%get3A_19, %get3A_20] : memref<128x256xf32, #tpu.memory_space<vmem>>, vector<128x64xf32>
    %dot_general3A_22 = arith.constant dense<0.000000e+00> : vector<10000x128xf32>
    %dot_general3A_23 = tpu.matmul %get3A_18, %get3A_21, %dot_general3A_22 {dimension_numbers = #tpu.dot_dimension_numbers<[1], [1], [0], [0], [0, 0, 1, 0], [], []>, transpose_lhs_hint = false} : vector<10000x64xf32>, vector<128x64xf32>, vector<10000x128xf32> -> vector<10000x128xf32>
    %get3A_24 = arith.constant 1 : index
    %get3A_25 = arith.constant 0 : index
    %get3A_26 = arith.constant 0 : index
    %get3A_27 = vector.load %arg1[%get3A_24, %get3A_25, %get3A_26] : memref<2x10000x64xf32, #tpu.memory_space<vmem>>, vector<1x10000x64xf32>
    %get3A_28 = vector.shape_cast %get3A_27 : vector<1x10000x64xf32> to vector<10000x64xf32>
    %get3A_29 = arith.constant 0 : index
    %get3A_30 = arith.constant 192 : index
    %get3A_31 = vector.load %arg3[%get3A_29, %get3A_30] : memref<128x256xf32, #tpu.memory_space<vmem>>, vector<128x64xf32>
    %dot_general3A_32 = arith.constant dense<0.000000e+00> : vector<10000x128xf32>
    %dot_general3A_33 = tpu.matmul %get3A_28, %get3A_31, %dot_general3A_32 {dimension_numbers = #tpu.dot_dimension_numbers<[1], [1], [0], [0], [0, 0, 1, 0], [], []>, transpose_lhs_hint = false} : vector<10000x64xf32>, vector<128x64xf32>, vector<10000x128xf32> -> vector<10000x128xf32>
    %add3A = arith.addf %dot_general3A_23, %dot_general3A_33 : vector<10000x128xf32>
    %broadcast_in_dim3A = vector.shape_cast %div3A_6 : vector<10000xf32> to vector<10000x1xf32>
    %mul3A = vector.broadcast %broadcast_in_dim3A : vector<10000x1xf32> to vector<10000x128xf32>
    %mul3A_34 = arith.mulf %add3A, %mul3A : vector<10000x128xf32>
    %add3A_35 = arith.addf %dot_general3A_13, %mul3A_34 : vector<10000x128xf32>
    %get3A_36 = arith.constant 0 : index
    %get3A_37 = arith.constant 0 : index
    %get3A_38 = vector.load %arg4[%get3A_36, %get3A_37] : memref<1x128xf32, #tpu.memory_space<vmem>>, vector<1x128xf32>
    %add3A_39 = vector.broadcast %get3A_38 : vector<1x128xf32> to vector<10000x128xf32>
    %add3A_40 = arith.addf %add3A_35, %add3A_39 : vector<10000x128xf32>
    %swap3A = arith.constant 0 : index
    %swap3A_41 = arith.constant 0 : index
    %swap3A_42 = vector.load %arg5[%swap3A, %swap3A_41] : memref<10000x128xf32, #tpu.memory_space<vmem>>, vector<10000x128xf32>
    tpu.vector_store %arg5[%swap3A, %swap3A_41], %add3A_40 {strides = array<i32>} : memref<10000x128xf32, #tpu.memory_space<vmem>>, vector<10000x128xf32>,
    return
  }
}

</mosaic_0001>

<sc_bundles>
// kernel: kernel.4.cloned.1.call-start
scs
__scs_entry_jumppad:
0x0: {  	(pc) =	sbr.rel $0x88, $3  }
0x1: {  	(tag) =	ssettag $0x0;
	lr =	simm.s32 $0x1  }
0x2: {  	[smem:$0x3F9D] =	sst lr;
	_ =	strace $0xD0000000  }
0x3: {  	_ = 	snop  }
0x4: {  	_ = 	snop  }
0x5: {  	_ = 	snop  }
0x6: {  	_ = 	snop  }
0x7: {  	_ = 	snop  }
__scs_overlays_trampoline_lowered:
0x8: {  	[smem:$0x3FAC] =	sst s0  }
0x9: {  	[smem:$0x3FAD] =	sst s1  }
0xa: {  	[smem:$0x3FAE] =	sst s2  }
0xb: {  	[smem:$0x3FAF] =	sst s3  }
0xc: {  	[smem:$0x3FB0] =	sst s4  }
0xd: {  	[smem:$0x3FB1] =	sst s5  }
0xe: {  	[smem:$0x3FB2] =	sst s6  }
0xf: {  	[smem:$0x3FB3] =	sst s7  }
0x10: {  	[smem:$0x3FB4] =	sst s8  }
0x11: {  	[smem:$0x3FB5] =	sst s9;
	s0 =	simm.s32 @!p0 $0x0  }
0x12: {  	s1 =	sld [smem:$0x3F9B];
	s0 =	simm.s32 @p0 $0x1  }
0x13: {  	[smem:$0x3FB6] =	sst s0;
	s0 =	simm.s32 @!p1 $0x0  }
0x14: {  	s2 =	sld [smem:$0x3F9A];
	s0 =	simm.s32 @p1 $0x1  }
0x15: {  	[smem:$0x3FB7] =	sst s0;
	s0 =	simm.s32 @!p2 $0x0  }
0x16: {  	s3 =	sld [smem:$0x3FDB];
	s0 =	simm.s32 @p2 $0x1  }
0x17: {  	s4 =	simm.s32 $0x1BF5;
	[smem:$0x3FB9] =	sst s0  }
0x18: {  	s0 =	sld [smem:$0x3F9C];
	_ =	swait.ge [sflag:s4], $0x0  }
0x19: {  	s7 =	sld [smem:$0x3F9D]  }
0x1a: {  	s8 =	sadd.s32 $0xFFFFE003, lr  }
0x1b: {  	s9 =	sadd.s32 $0xFFFFFEF7, lr;
	s5 =	simm.s32 $0xFFFFFFFF;
	p2 =	slt.u32 s8, $0xFFFFF086  }
0x1c: {  	p1 =	slt.u32 s9, $0xF7A;
	s5 =	simm.s32 @!p2 $0x0  }
0x1d: {  	s5 =	simm.s32 @p1 $0x1;
	p0 =	seq.s32 s7, s2  }
0x1e: {  	s7 =	smul.u32 @!p0 $0xF7A, s2;
	p2 =	seq.s32 @!p0 s5, $0x0  }
0x1f: {  	s9 =	smul.u32 $0xF7A, s1;
	s8 =	simm.s32 @!p0 $0x1BF5;
	p2 =	por !p2, p0  }
0x20: {  	[sflag:s8] =	ssyncset.s32 @!p0 $0xFFFFF086;
	s6 =	sadd.s32 @!p0 s3, s7;
	s7 =	simm.s32 @!p0 $0x108  }
0x21: {  	s3 =	sadd.s32 s3, s9;
	s6 =	sadd.s32 @!p0 $0x88, s6;
	s7 =	simm.s32 @p2 $0x1082  }
0x22: {  	[simem:s7], [sflag:s8] =	dma.local @!p0 [hbm:s6], $0xF7A  }
0x23: {  	s9 =	sor.u32 $0xD0000000, s2;
	s6 =	simm.s32 $0x108;
	_ =	swait.ge @!p0 [sflag:s8], $0x0  }
0x24: {  	s3 =	sadd.s32 $0x88, s3;
	s6 =	simm.s32 @!p1 $0x1082;
	[sflag:s4] =	ssyncset.s32 $0xFFFFF086  }
0x25: {  	[simem:s6], [sflag:s4] =	dma.local [hbm:s3], $0xF7A  }
0x26: {  	[smem:$0x3F9D] =	sst s1;
	(tag) =	ssettag s2;
	_ =	strace s9  }
0x27: {  	s1 =	sld [smem:$0x3FAD]  }
0x28: {  	s2 =	sld [smem:$0x3FAE]  }
0x29: {  	s4 =	sld [smem:$0x3FB0]  }
0x2a: {  	p0 =	seq.s32 s5, $0x0;
	s5 =	sld [smem:$0x3FB1]  }
0x2b: {  	s6 =	sld [smem:$0x3FB2]  }
0x2c: {  	s7 =	sld [smem:$0x3FB3]  }
0x2d: {  	s3 =	simm.s32 $0x108;
	s8 =	sld [smem:$0x3FB4]  }
0x2e: {  	s3 =	simm.s32 @!p0 $0x1082;
	s9 =	sld [smem:$0x3FB5]  }
0x2f: {  	lr =	sadd.s32 s0, s3;
	s0 =	sld [smem:$0x3FAC]  }
0x30: {  	s3 =	sld [smem:$0x3FAF]  }
0x31: {  	[smem:$0x3FB8] =	sst s10  }
0x32: {  	s10 =	sld [smem:$0x3FB6];
	_ =	sdelay $0x3  }
0x33: {  	p0 =	seq.s32 s10, $0x1;
	s10 =	sld [smem:$0x3FB8];
	_ =	sdelay $0x3  }
0x34: {  	[smem:$0x3FB8] =	sst s10  }
0x35: {  	s10 =	sld [smem:$0x3FB7];
	_ =	sdelay $0x3  }
0x36: {  	p1 =	seq.s32 s10, $0x1;
	s10 =	sld [smem:$0x3FB8];
	_ =	sdelay $0x3  }
0x37: {  	[smem:$0x3FB8] =	sst s10  }
0x38: {  	s10 =	sld [smem:$0x3FB9]  }
0x39: {  	_ = 	snop;
	(pc) =	sbr.ind lr, $3  }
0x3a: {  	_ = 	snop  }
0x3b: {  	_ = 	snop  }
0x3c: {  	p2 =	seq.s32 s10, $0x1;
	s10 =	sld [smem:$0x3FB8]  }
0x3d: {  	_ =	shalt  }
0x3e: {  	_ =	shalt  }
0x3f: {  	_ =	shalt  }
0x40: {  	_ =	shalt  }
0x41: {  	_ =	shalt  }
0x42: {  	_ =	shalt  }
0x43: {  	_ =	shalt  }
0x44: {  	_ =	shalt  }
0x45: {  	_ =	shalt  }
0x46: {  	_ =	shalt  }
0x47: {  	_ =	shalt  }
0x48: {  	_ =	shalt  }
0x49: {  	_ =	shalt  }
0x4a: {  	_ =	shalt  }
0x4b: {  	_ =	shalt  }
0x4c: {  	_ =	shalt  }
0x4d: {  	_ =	shalt  }
0x4e: {  	_ =	shalt  }
0x4f: {  	_ =	shalt  }
0x50: {  	_ =	shalt  }
0x51: {  	_ =	shalt  }
0x52: {  	_ =	shalt  }
0x53: {  	_ =	shalt  }
0x54: {  	_ =	shalt  }
0x55: {  	_ =	shalt  }
0x56: {  	_ =	shalt  }
0x57: {  	_ =	shalt  }
0x58: {  	_ =	shalt  }
0x59: {  	_ =	shalt  }
0x5a: {  	_ =	shalt  }
0x5b: {  	_ =	shalt  }
0x5c: {  	_ =	shalt  }
0x5d: {  	_ =	shalt  }
0x5e: {  	_ =	shalt  }
0x5f: {  	_ =	shalt  }
0x60: {  	_ =	shalt  }
0x61: {  	_ =	shalt  }
0x62: {  	_ =	shalt  }
0x63: {  	_ =	shalt  }
0x64: {  	_ =	shalt  }
0x65: {  	_ =	shalt  }
0x66: {  	_ =	shalt  }
0x67: {  	_ =	shalt  }
0x68: {  	_ =	shalt  }
0x69: {  	_ =	shalt  }
0x6a: {  	_ =	shalt  }
0x6b: {  	_ =	shalt  }
0x6c: {  	_ =	shalt  }
0x6d: {  	_ =	shalt  }
0x6e: {  	_ =	shalt  }
0x6f: {  	_ =	shalt  }
0x70: {  	_ =	shalt  }
0x71: {  	_ =	shalt  }
0x72: {  	_ =	shalt  }
0x73: {  	_ =	shalt  }
0x74: {  	_ =	shalt  }
0x75: {  	_ =	shalt  }
0x76: {  	_ =	shalt  }
0x77: {  	_ =	shalt  }
0x78: {  	_ =	shalt  }
0x79: {  	_ =	shalt  }
0x7a: {  	_ =	shalt  }
0x7b: {  	_ =	shalt  }
0x7c: {  	_ =	shalt  }
0x7d: {  	_ =	shalt  }
0x7e: {  	_ =	shalt  }
0x7f: {  	_ =	shalt  }
0x80: {  	_ =	shalt  }
0x81: {  	_ =	shalt  }
0x82: {  	_ =	shalt  }
0x83: {  	_ =	shalt  }
0x84: {  	_ =	shalt  }
0x85: {  	_ =	shalt  }
0x86: {  	_ =	shalt  }
0x87: {  	_ =	shalt  }
.Lfunc_end0:
.L_simem_size_0:
called_computation_lowered:
.L_overlay_start_0:
0x88: {  	s2 =	sld [smem:$0x3FD9]  }
0x89: {  	s3 =	sld [smem:$0x3FFE];
	_ =	sdelay $0x1  }
0x8a: {  	s1 =	srdreg.scid  }
0x8b: {  	s0 =	sand.u32 $0x1, s1  }
0x8c: {  	s17 =	sshll.u32 s0, $0xA;
	s2 =	sadd.s32 s3, s2  }
0x8d: {  	s2 =	sadd.s32 s2, s17  }
0x8e: {  	[smem:$0x3FC4] =	sst s2  }
0x8f: {  	_ = 	snop  }
0x90: {  	s2 =	sld [smem:$0x3FC9]  }
0x91: {  	s18 =	sld [smem:$0x3FD0];
	(tm) =	ssettm $0x1  }
0x92: {  	s4 =	sld [smem:$0x3FFB];
	_ =	sdelay $0x3  }
0x93: {  	_ =	strace s4  }
0x94: {  	s4 =	sld [smem:$0x3FFC];
	_ =	sdelay $0x3  }
0x95: {  	_ =	strace s4  }
0x96: {  	s4 =	sld [smem:$0x3FFD];
	_ =	sdelay $0x3  }
0x97: {  	_ =	strace s4  }
0x98: {  	_ =	strace $0x8FFFFFFF  }
0x99: {  	s19 =	sld [smem:$0x3FDB];
	_ =	sdelay $0x1  }
0x9a: {  	s5 =	simm.s32 $_scs_section_size  }
0x9b: {  	s6 =	simm.s32 $_size__tile_overlayer_lowered;
	s7 =	simm.s32 $_tile_overlayer_lowered  }
0x9c: {  	s22 =	simm.s32 $0x1BFF;
	s21 =	sshll.u32 s7, $0x1;
	s4 =	sadd.s32 s5, s19  }
0x9d: {  	s8 =	simm.s32 $0x0;
	s20 =	sshll.u32 s6, $0x1;
	s6 =	sadd.s32 s21, s4  }
0x9e: {  	[timem:s8], [sflag:s22] =	dma.local [hbm:s6], s20  }
0x9f: {  	_ =	swait.ge [sflag:s22], s20  }
0xa0: {  	s5 =	ssub.s32 $0x0, s20;
	[sflag:s22] =	ssyncset.done $0x0  }
0xa1: {  	[sflag:s22] =	ssyncadd.s32 s5;
	_ =	sdelay $0x1  }
0xa2: {  	s23 =	simm.s32 $0x1B8B  }
0xa3: {  	_ =	swait.ge [sflag:s23], $0x1  }
0xa4: {  	[sflag:s23] =	ssyncset.done $0x0  }
0xa5: {  	s25 =	simm.s32 $0x1B8E;
	s24 =	sld [smem:$0x3FFE];
	[sflag:s23] =	ssyncadd.s32 $0xFFFFFFFF  }
0xa6: {  	s26 =	simm.s32 $execute0_lowered;
	[smem:$0x3FD2] =	sst s25  }
0xa7: {  	s6 =	sshll.u32 s26, $0x1;
	_ =	strace $0x80000046;
	[dreg:$0x1] =	wrdreg $0xFFFFFFFF  }
0xa8: {  	s28 =	simm.s32 $_size_execute0_lowered;
	s4 =	sadd.s32 s4, s6;
	[dreg:$0x0] =	wrdreg $0x0  }
0xa9: {  	s6 =	sshll.u32 s28, $0x1;
	[dreg:$0x2] =	wrdreg s4  }
0xaa: {  	[dreg:$0x3] =	wrdreg s6  }
0xab: {  	[dreg:$0x4] =	wrdreg $0xC0  }
0xac: {  	_ =	task [dreg:s8], $0x5FFFF  }
0xad: {  	[dreg:$0x1] =	wrdreg $0xFFFFFFFF  }
0xae: {  	[dreg:$0x0] =	wrdreg $0x60  }
0xaf: {  	[dreg:$0x2] =	wrdreg s2  }
0xb0: {  	[dreg:$0x3] =	wrdreg s24  }
0xb1: {  	[dreg:$0x4] =	wrdreg s18  }
0xb2: {  	[dreg:$0x5] =	wrdreg $0x11D500  }
0xb3: {  	[dreg:$0x6] =	wrdreg $0x9  }
0xb4: {  	_ =	task.clear_ibuf [dreg:s8], $0x7FFFF;
	_ =	strace $0x90000046  }
0xb5: {  	s29 =	simm.s32 $0x9;
	_ =	strace $0x80000048  }
0xb6: {  	_ =	swait.ge [sflag:s29], $0x1  }
0xb7: {  	[sflag:s29] =	ssyncadd.s32 $0xFFFFFFFF  }
0xb8: {  	_ =	strace $0x90000048  }
0xb9: {  	_ =	sfence  }
0xba: {  	s30 =	sld [smem:$0x0];
	_ =	sdelay $0x2  }
0xbb: {  	s31 =	sshll.u32 s1, $0xD;
	s1 =	sshrl.u32 s1, $0x2  }
0xbc: {  	s3 =	sand.u32 $0x4000, s31;
	s1 =	sadd.s32 s1, s30  }
0xbd: {  	s0 =	sor.u32 s3, s0;
	s1 =	sshll.u32 s1, $0x11  }
0xbe: {  	s0 =	sor.u32 s1, s0  }
0xbf: {  	s0 =	sadd.s32 $0x8F2B, s0  }
0xc0: {  	[sflag:s0] =	ssyncadd.remote.s32 $0x1  }
0xc1: {  	_ =	sfence.sel $0xFFFF  }
0xc2: {  	[dreg:$0x0] =	wrdreg $0xFFFFFFFF;
	(pc) =	sbr.abs _section_cstart, $3  }
0xc3: {  	[dreg:$0x1] =	wrdreg $0xFFFFFFFF  }
0xc4: {  	_ =	task.clear_ibuf [dreg:s8], $0x2FFFF;
	_ =	strace $0x9FFFFFFF  }
0xc5: {  	(tm) =	ssettm $0x7FFFFFFF  }
tec
execute0_lowered:
.L_overlay_start_1:
0x0: {  	(tag) =	ssettag $0x1  }
0x1: {  	s1 =	stileid.u32  }
0x2: {  	s5 =	smul.u32 $0x9C4, s1  }
0x3: {  	s6 =	smul.u32 $0x4E2, s1  }
0x4: {  	s20 =	smul.u32 $0xC800, s1  }
0x5: {  	s2 =	rddreg [dreg:$0x0];
	s9 =	sor.u32 $0x10, s1;
	s16 =	smul.u32 $0x3200, s1  }
0x6: {  	s0 =	rddreg [dreg:$0x1];
	s12 =	sor.u32 $0x20, s1;
	s8 =	smul.u32 $0xC800, s9  }
0x7: {  	s7 =	srdreg.scid;
	s14 =	sor.u32 $0x30, s1;
	s22 =	smul.u32 $0xC800, s12  }
0x8: {  	s11 =	rddreg [dreg:$0x2];
	s26 =	sand.u32 $0x1, s7;
	s25 =	smul.u32 $0xC800, s14  }
0x9: {  	s3 =	rddreg [dreg:$0x3];
	s15 =	smul.u32 $0x13880, s26  }
0xa: {  	s4 =	simm.s32 $0x0;
	s29 =	simm.s32 $0x2;
	s17 =	smul.u32 $0x3200, s9  }
0xb: {  	[smem:$0x7FF] =	sst s4;
	p0 =	sgt.u32 s1, $0x1;
	s12 =	smul.u32 $0x3200, s12  }
0xc: {  	_ =	strace $0x80000047;
	s19 =	ssub.s32 $0x2, s26;
	s31 =	smul.u32 $0x3200, s14  }
0xd: {  	s14 =	simm.s32 $0x3;
	p1 =	sne.s32 s26, $0x0;
	v0 =	vmov s26;
	s26 =	simm.s32 $0xB040  }
0xe: {  	s10 =	sadd.s32 s5, s0;
	s0 =	sadd.s32 s6, s0;
	s21 =	sshrl.u32 s19, $0x1  }
0xf: {  	s23 =	sshrl.u32 s20, $0x2;
	s18 =	sshrl.u32 s16, $0x3;
	s13 =	ssub.s32 s19, s21  }
0x10: {  	s24 =	sshrl.u32 s8, $0x2;
	s5 =	sadd.s32 s23, s3;
	s7 =	sshrl.u32 s22, $0x2  }
0x11: {  	s8 =	sshrl.u32 s25, $0x2;
	s9 =	sadd.s32 $0xAA00, s10;
	s10 =	sadd.s32 $0xC00, s10  }
0x12: {  	s19 =	sadd.s32 s11, s15;
	s21 =	sadd.s32 s16, s3;
	s20 =	sshrl.u32 s17, $0x3  }
0x13: {  	s22 =	sadd.s32 s17, s3;
	s23 =	sshrl.u32 s12, $0x3;
	s25 =	sshrl.u32 s31, $0x3  }
0x14: {  	s28 =	sadd.s32 s31, s3;
	s11 =	sadd.s32 $0x14800, s0;
	[dreg:$0x5] =	wrdreg s5  }
0x15: {  	s30 =	sadd.s32 s24, s3;
	s7 =	sadd.s32 s7, s3;
	s8 =	sadd.s32 s8, s3  }
0x16: {  	s24 =	sadd.s32 s12, s3;
	s12 =	smax.u32 s13, $0x1;
	s13 =	simm.s32 $0xEB50  }
0x17: {  	s16 =	sadd.s32 s18, s19;
	s17 =	sadd.s32 s20, s19;
	s18 =	sadd.s32 s23, s19  }
0x18: {  	s19 =	sadd.s32 @!p0 s25, s19;
	s20 =	simm.s32 $0x50;
	s21 =	sshrl.u32 s21, $0x3  }
0x19: {  	s22 =	sshrl.u32 s22, $0x3;
	s25 =	simm.s32 $0x9C40;
	[dreg:$0x6] =	wrdreg s30  }
0x1a: {  	v1 =	vimm.f32 $0.0e+00;
	s23 =	sshrl.u32 s24, $0x3;
	s24 =	sshrl.u32 @!p0 s28, $0x3;
	s28 =	simm.s32 $0x1  }
.LBB2_1:
0x1b: {  	s0 =	simm.s32 $0x0  }
.LBB2_2:
0x1c: {  	p2 =	sne.s32 s0, $0xC700  }
.Ltmp0:
0x1d: {  	s30 =	sshra.s32 s0, $0x2;
	(pc) =	sbr.rel @p2 .LBB2_2-.Ltmp0, $4  }
0x1e: {  	[tilespmem:s30+$0xEB50] =	vst v1  }
0x1f: {  	[tilespmem:s30+$0xEB60] =	vst v1  }
0x20: {  	[tilespmem:s30+$0xEB70] =	vst v1  }
0x21: {  	s0 =	sadd.s32 $0x100, s0;
	[tilespmem:s30+$0xEB80] =	vst v1  }
0x22: {  	s0 =	simm.s32 $0x40;
	s30 =	simm.s32 $0x0  }
.LBB2_4:
0x23: {  	p2 =	sne.s32 s0, $0x9C00;
	[tilespmem:s30+$0xC440] =	vst v1;
	s30 =	smov.u32 s0;
	s0 =	sadd.s32 $0x40, s0  }
.Ltmp1:
0x24: {  	(pc) =	sbr.rel @p2 .LBB2_4-.Ltmp1, $2  }
0x25: {  	_ =	sdelay $0x2  }
0x26: {  	s30 =	sshra.s32 s30, $0x2  }
0x27: {  	[tilespmem:s30+$0xC440] =	vst v1;
	s0 =	rddreg [dreg:$0x5]  }
0x28: {  	[spmem:s0] =	stream.linear.scatter [tilespmem:s13], [sflag:$0x3], $0x3200, $0x38;
	[tilespmem:$0x1B990] =	vst v63  }
0x29: {  	_ =	swait.ge [sflag:s14], $0x3200  }
0x2a: {  	[sflag:s14] =	ssyncset.done $0x0  }
0x2b: {  	s15 =	rddreg [dreg:$0x6];
	[sflag:s14] =	ssyncadd.s32 $0xFFFFCE00  }
0x2c: {  	[spmem:s15] =	stream.linear.scatter [tilespmem:s13], [sflag:$0x3], $0x3200, $0x38;
	[tilespmem:$0x1B990] =	vst v63  }
0x2d: {  	_ =	swait.ge [sflag:s14], $0x3200  }
0x2e: {  	[sflag:s14] =	ssyncset.done $0x0  }
0x2f: {  	[sflag:s14] =	ssyncadd.s32 $0xFFFFCE00  }
0x30: {  	[spmem:s7] =	stream.linear.scatter [tilespmem:s13], [sflag:$0x3], $0x3200, $0x38;
	[tilespmem:$0x1B990] =	vst v63  }
0x31: {  	_ =	swait.ge [sflag:s14], $0x3200  }
0x32: {  	[sflag:s14] =	ssyncset.done $0x0  }
0x33: {  	s0 =	simm.s32 @!p0 $0xEB50;
	[sflag:s14] =	ssyncadd.s32 $0xFFFFCE00  }
0x34: {  	[spmem:s8] =	stream.linear.scatter @!p0 [tilespmem:s0], [sflag:$0x3], $0x3200, $0x38;
	[tilespmem:$0x1B990] =	vst v63  }
0x35: {  	s0 =	simm.s32 @!p0 $0x3  }
0x36: {  	_ =	swait.ge @!p0 [sflag:s0], $0x3200  }
0x37: {  	[sflag:s0] =	ssyncset.done @!p0 $0x0  }
0x38: {  	s30 =	simm.s32 $0x0;
	[sflag:s0] =	ssyncadd.s32 @!p0 $0xFFFFCE00  }
0x39: {  	[tilespmem:s30], [sflag:$0x3] =	stream.linear.gather [hbm4b:s9+s30], $0x4E20, $0x38;
	[tilespmem:$0x1B990] =	vst v63  }
0x3a: {  	_ =	swait.ge [sflag:s14], $0x4E20  }
0x3b: {  	[sflag:s14] =	ssyncset.done $0x0  }
0x3c: {  	s31 =	simm.s32 $0x4E20;
	[sflag:s14] =	ssyncadd.s32 $0xFFFFB1E0  }
0x3d: {  	[tilespmem:s31], [sflag:$0x3] =	stream.linear.gather [hbm4b:s10+s30], $0x4E20, $0x38;
	[tilespmem:$0x1B990] =	vst v63  }
0x3e: {  	_ =	swait.ge [sflag:s14], $0x4E20  }
0x3f: {  	[sflag:s14] =	ssyncset.done $0x0  }
0x40: {  	[sflag:s14] =	ssyncadd.s32 $0xFFFFB1E0  }
0x41: {  	[bflag:$0x0] =	sbarrier.arrive $0xFFFF  }
0x42: {  	v2 =	vld [tilespmem:$0x0]  }
0x43: {  	v3 =	vld [tilespmem:$0x10]  }
0x44: {  	v4 =	vld [tilespmem:$0x20]  }
0x45: {  	v5 =	vld [tilespmem:$0x30]  }
0x46: {  	v6 =	vld [tilespmem:$0x40]  }
0x47: {  	v7 =	vld [tilespmem:$0x50];
	v2 =	vshll.u32 v2, $0x1  }
0x48: {  	v8 =	vld [tilespmem:$0x60];
	v3 =	vshll.u32 v3, $0x1;
	v2 =	vor.u32 v0, v2  }
0x49: {  	v61 =	vld [tilespmem:$0x70];
	[tilespmem:$0x0] =	vst v2;
	v2 =	vor.u32 v0, v3;
	v3 =	vshll.u32 v4, $0x1  }
0x4a: {  	v62 =	vld [tilespmem:$0x80];
	[tilespmem:$0x10] =	vst v2;
	v2 =	vor.u32 v0, v3;
	v3 =	vshll.u32 v5, $0x1  }
0x4b: {  	v63 =	vld [tilespmem:$0x90];
	[tilespmem:$0x20] =	vst v2;
	v2 =	vor.u32 v0, v3;
	v3 =	vshll.u32 v6, $0x1  }
0x4c: {  	[tilespmem:$0x30] =	vst v2;
	v2 =	vor.u32 v0, v3;
	v3 =	vshll.u32 v7, $0x1  }
0x4d: {  	[tilespmem:$0x40] =	vst v2;
	v2 =	vor.u32 v0, v3;
	v3 =	vshll.u32 v8, $0x1  }
0x4e: {  	[tilespmem:$0x50] =	vst v2;
	v2 =	vor.u32 v0, v3;
	v3 =	vshll.u32 v61, $0x1  }
0x4f: {  	[tilespmem:$0x60] =	vst v2;
	v2 =	vor.u32 v0, v3;
	v3 =	vshll.u32 v62, $0x1  }
0x50: {  	[tilespmem:$0x70] =	vst v2;
	v2 =	vor.u32 v0, v3;
	v3 =	vshll.u32 v63, $0x1  }
0x51: {  	[tilespmem:$0x80] =	vst v2;
	v2 =	vor.u32 v0, v3  }
0x52: {  	[tilespmem:$0x90] =	vst v2  }
0x53: {  	[tilespmem:s25], [sflag:$0x1] =	stream.indirect.gather [hbm4b:s2+s20], $0x40, s30, s20, $0xb8;
	[tilespmem:$0x1B990] =	vst v63  }
0x54: {  	_ = 	snop  }
0x55: {  	[tilespmem:s26], [sflag:$0x2] =	stream.indirect.gather [hbm4b:s2+s20], $0x40, s20, s20, $0xb8;
	[tilespmem:$0x1B990] =	vst v63  }
.LBB2_6:
0x56: {  	p2 =	seq.s32 s30, $0x13600  }
0x57: {  	s0 =	sshra.s32 @!p2 s30, $0x2  }
0x58: {  	v2 =	vld @!p2 [tilespmem:s0+$0xA0]  }
0x59: {  	v3 =	vld @!p2 [tilespmem:s0+$0xB0]  }
0x5a: {  	v4 =	vld @!p2 [tilespmem:s0+$0xC0]  }
0x5b: {  	v5 =	vld @!p2 [tilespmem:s0+$0xD0]  }
0x5c: {  	v6 =	vld @!p2 [tilespmem:s0+$0xE0]  }
0x5d: {  	v2 =	vshll.u32 @!p2 v2, $0x1  }
0x5e: {  	v3 =	vshll.u32 @!p2 v3, $0x1;
	v2 =	vor.u32 @!p2 v0, v2  }
0x5f: {  	[tilespmem:s0+$0xA0] =	vst @!p2 v2;
	v2 =	vor.u32 @!p2 v0, v3;
	v3 =	vshll.u32 @!p2 v4, $0x1  }
0x60: {  	[tilespmem:s0+$0xB0] =	vst @!p2 v2;
	v2 =	vor.u32 @!p2 v0, v3;
	v3 =	vshll.u32 @!p2 v5, $0x1  }
0x61: {  	[tilespmem:s0+$0xC0] =	vst @!p2 v2;
	v2 =	vor.u32 @!p2 v0, v3;
	v3 =	vshll.u32 @!p2 v6, $0x1  }
0x62: {  	[tilespmem:s0+$0xD0] =	vst @!p2 v2;
	v2 =	vor.u32 @!p2 v0, v3  }
0x63: {  	[tilespmem:s0+$0xE0] =	vst @!p2 v2  }
0x64: {  	_ =	swait.ge [sflag:s28], $0x1400  }
0x65: {  	s15 =	sshra.s32 s30, $0x2;
	[sflag:s28] =	ssyncset.done $0x0  }
0x66: {  	s31 =	sadd.s32 $0x4E20, s15;
	[sflag:s28] =	ssyncadd.s32 $0xFFFFEC00  }
0x67: {  	[spmem:s3] =	stream.indirect.scatter.add.f32 [tilespmem:s25], [sflag:$0x3], $0x40, s31, s20, $0xb8;
	[tilespmem:$0x1B990] =	vst v63  }
0x68: {  	_ =	swait.ge [sflag:s14], $0x1400  }
0x69: {  	s1 =	simm.s32 @!p2 $0x50;
	[sflag:s14] =	ssyncset.done $0x0  }
0x6a: {  	s5 =	simm.s32 @!p2 $0x9C40;
	s31 =	sadd.s32 @!p2 $0xA0, s0;
	[sflag:s14] =	ssyncadd.s32 $0xFFFFEC00  }
0x6b: {  	[tilespmem:s5], [sflag:$0x1] =	stream.indirect.gather @!p2 [hbm4b:s2+s1], $0x40, s31, s1, $0xb8;
	[tilespmem:$0x1B990] =	vst v63  }
0x6c: {  	s5 =	sshra.s32 @!p1 s30, $0x2  }
0x6d: {  	v2 =	vld @!p1 [tilespmem:s5+$0x4E20];
	_ =	sdelay $0x6  }
0x6e: {  	v3 =	vimm.f32 @!p1 $1.000000000e+00;
	s31 =	simm.s32 @!p1 $0xC440  }
0x6f: {  	[tilespmem:v2+s31+$0x0] =	vst.idx.add.f32.msk @!p1 $0xffff, v3  }
0x70: {  	v2 =	vld @!p1 [tilespmem:s5+$0x4E30];
	_ =	sdelay $0x7  }
0x71: {  	[tilespmem:v2+s31+$0x0] =	vst.idx.add.f32.msk @!p1 $0xffff, v3  }
0x72: {  	v2 =	vld @!p1 [tilespmem:s5+$0x4E40];
	_ =	sdelay $0x7  }
0x73: {  	[tilespmem:v2+s31+$0x0] =	vst.idx.add.f32.msk @!p1 $0xffff, v3  }
0x74: {  	v2 =	vld @!p1 [tilespmem:s5+$0x4E50];
	_ =	sdelay $0x7  }
0x75: {  	[tilespmem:v2+s31+$0x0] =	vst.idx.add.f32.msk @!p1 $0xffff, v3  }
0x76: {  	v2 =	vld @!p1 [tilespmem:s5+$0x4E60];
	_ =	sdelay $0x7  }
0x77: {  	[tilespmem:v2+s31+$0x0] =	vst.idx.add.f32.msk @!p1 $0xffff, v3  }
0x78: {  	v2 =	vld @!p2 [tilespmem:s0+$0xF0]  }
0x79: {  	v4 =	vld @!p2 [tilespmem:s0+$0x100]  }
0x7a: {  	v5 =	vld @!p2 [tilespmem:s0+$0x110]  }
0x7b: {  	v6 =	vld @!p2 [tilespmem:s0+$0x120]  }
0x7c: {  	v7 =	vld @!p2 [tilespmem:s0+$0x130]  }
0x7d: {  	v2 =	vshll.u32 @!p2 v2, $0x1  }
0x7e: {  	v4 =	vshll.u32 @!p2 v4, $0x1;
	v2 =	vor.u32 @!p2 v0, v2  }
0x7f: {  	[tilespmem:s0+$0xF0] =	vst @!p2 v2;
	v2 =	vor.u32 @!p2 v0, v4;
	v4 =	vshll.u32 @!p2 v5, $0x1  }
0x80: {  	[tilespmem:s0+$0x100] =	vst @!p2 v2;
	v2 =	vor.u32 @!p2 v0, v4;
	v4 =	vshll.u32 @!p2 v6, $0x1  }
0x81: {  	[tilespmem:s0+$0x110] =	vst @!p2 v2;
	v2 =	vor.u32 @!p2 v0, v4;
	v4 =	vshll.u32 @!p2 v7, $0x1  }
0x82: {  	[tilespmem:s0+$0x120] =	vst @!p2 v2;
	v2 =	vor.u32 @!p2 v0, v4  }
0x83: {  	[tilespmem:s0+$0x130] =	vst @!p2 v2  }
0x84: {  	_ =	swait.ge [sflag:s29], $0x1400  }
0x85: {  	[sflag:s29] =	ssyncset.done $0x0  }
0x86: {  	s6 =	sadd.s32 $0x4E70, s15;
	[sflag:s29] =	ssyncadd.s32 $0xFFFFEC00  }
0x87: {  	[spmem:s3] =	stream.indirect.scatter.add.f32 [tilespmem:s26], [sflag:$0x3], $0x40, s6, s20, $0xb8;
	[tilespmem:$0x1B990] =	vst v63  }
0x88: {  	_ =	swait.ge [sflag:s14], $0x1400  }
0x89: {  	[sflag:s14] =	ssyncset.done $0x0  }
0x8a: {  	s0 =	sadd.s32 @!p2 $0xF0, s0;
	s6 =	simm.s32 @!p2 $0xB040;
	[sflag:s14] =	ssyncadd.s32 $0xFFFFEC00  }
0x8b: {  	[tilespmem:s6], [sflag:$0x2] =	stream.indirect.gather @!p2 [hbm4b:s2+s1], $0x40, s0, s1, $0xb8;
	[tilespmem:$0x1B990] =	vst v63  }
0x8c: {  	v2 =	vld @!p1 [tilespmem:s15+$0x4E70];
	_ =	sdelay $0x7  }
0x8d: {  	[tilespmem:v2+s31+$0x0] =	vst.idx.add.f32.msk @!p1 $0xffff, v3  }
0x8e: {  	v2 =	vld @!p1 [tilespmem:s5+$0x4E80];
	_ =	sdelay $0x7  }
0x8f: {  	[tilespmem:v2+s31+$0x0] =	vst.idx.add.f32.msk @!p1 $0xffff, v3  }
0x90: {  	v2 =	vld @!p1 [tilespmem:s5+$0x4E90];
	_ =	sdelay $0x7  }
0x91: {  	[tilespmem:v2+s31+$0x0] =	vst.idx.add.f32.msk @!p1 $0xffff, v3  }
0x92: {  	v2 =	vld @!p1 [tilespmem:s5+$0x4EA0];
	_ =	sdelay $0x7  }
0x93: {  	[tilespmem:v2+s31+$0x0] =	vst.idx.add.f32.msk @!p1 $0xffff, v3  }
0x94: {  	v2 =	vld @!p1 [tilespmem:s5+$0x4EB0];
	_ =	sdelay $0x1  }
0x95: {  	s30 =	sadd.s32 $0x280, s30  }
0x96: {  	p2 =	sne.s32 s30, $0x13880  }
.Ltmp2:
0x97: {  	_ = 	snop;
	(pc) =	sbr.rel @p2 .LBB2_6-.Ltmp2, $2  }
0x98: {  	_ =	sdelay $0x2  }
0x99: {  	[tilespmem:v2+s31+$0x0] =	vst.idx.add.f32.msk @!p1 $0xffff, v3  }
0x9a: {  	s0 =	stileid.u32  }
0x9b: {  	s0 =	sshll.u32 s0, $0x6  }
0x9c: {  	[bflag:$0x0] =	sbarrier.arrive $0xFFFF;
	s0 =	sor.u32 $0x1C03, s0  }
0x9d: {  	[hbm:s16], [sflag:s0] =	dma.local [spmem:s21], $0x640  }
0x9e: {  	_ =	swait.ge [sflag:s14], $0x640  }
0x9f: {  	[sflag:s14] =	ssyncset.done $0x0  }
0xa0: {  	[sflag:s14] =	ssyncadd.s32 $0xFFFFF9C0  }
0xa1: {  	[hbm:s17], [sflag:s0] =	dma.local [spmem:s22], $0x640  }
0xa2: {  	_ =	swait.ge [sflag:s14], $0x640  }
0xa3: {  	[sflag:s14] =	ssyncset.done $0x0  }
0xa4: {  	[sflag:s14] =	ssyncadd.s32 $0xFFFFF9C0  }
0xa5: {  	[hbm:s18], [sflag:s0] =	dma.local [spmem:s23], $0x640  }
0xa6: {  	_ =	swait.ge [sflag:s14], $0x640  }
0xa7: {  	[sflag:s14] =	ssyncset.done $0x0  }
0xa8: {  	[sflag:s14] =	ssyncadd.s32 $0xFFFFF9C0  }
0xa9: {  	[hbm:s19], [sflag:s0] =	dma.local @!p0 [spmem:s24], $0x640  }
0xaa: {  	s0 =	simm.s32 @!p0 $0x3  }
0xab: {  	_ =	swait.ge @!p0 [sflag:s0], $0x640  }
0xac: {  	s4 =	sadd.s32 $0x1, s4;
	[sflag:s0] =	ssyncset.done @!p0 $0x0  }
0xad: {  	p2 =	sne.s32 s4, s12;
	[sflag:s0] =	ssyncadd.s32 @!p0 $0xFFFFF9C0;
	s0 =	simm.s32 @!p1 $0x0  }
0xae: {  	[hbm4b:s11+s0] =	stream.linear.scatter @!p1 [tilespmem:s31], [sflag:$0x3], $0x2710, $0x38;
	[tilespmem:$0x1B990] =	vst v63  }
.Ltmp3:
0xaf: {  	_ = 	snop;
	(pc) =	sbr.rel @p2 .LBB2_1-.Ltmp3, $4  }
0xb0: {  	s0 =	simm.s32 @!p1 $0x3  }
0xb1: {  	_ =	swait.ge @!p1 [sflag:s0], $0x2710  }
0xb2: {  	[sflag:s0] =	ssyncset.done @!p1 $0x0  }
0xb3: {  	[sflag:s0] =	ssyncadd.s32 @!p1 $0xFFFFD8F0  }
0xb4: {  	_ =	sfence.sel $0x180000  }
0xb5: {  	[bflag:$0x0] =	sbarrier.arrive $0xFFFF  }
0xb6: {  	_ =	strace $0x90000047  }
0xb7: {  	s0 =	stileid.u32;
	[bflag:$0x2] =	sbarrier.arrive $0xFFFF  }
0xb8: {  	p0 =	sne.s32 s0, $0x0;
	s0 =	rddreg [dreg:$0x4]  }
0xb9: {  	s0 =	sadd.s32 @!p0 $0x100000, s0  }
0xba: {  	[sflag:s0] =	ssyncadd.tile.s32 @!p0 $0x1;
	_ =	shalt  }
.Lfunc_end2:
_tile_overlayer_lowered:
.L_overlay_start_2:
0xbb: {  	(tag) =	ssettag $0x2  }
0xbc: {  	s0 =	rddreg [dreg:$0x0];
	s2 =	stileid.u32  }
0xbd: {  	s1 =	rddreg [dreg:$0x1];
	p0 =	sne.s32 s2, $0x0  }
0xbe: {  	s3 =	rddreg [dreg:$0x2];
	[bflag:$0x3] =	sbarrier.arrive $0xFFFF;
	s2 =	simm.s32 @!p0 $0x1C03  }
0xbf: {  	[timem:s3], [sflag:s2] =	dma.local @!p0 [hbm:s0], s1  }
0xc0: {  	s0 =	simm.s32 @!p0 $0x3  }
0xc1: {  	_ =	swait.ge @!p0 [sflag:s0], s1  }
0xc2: {  	s1 =	ssub.s32 @!p0 $0x0, s1;
	[sflag:s0] =	ssyncset.done @!p0 $0x0  }
0xc3: {  	[sflag:s0] =	ssyncadd.s32 @!p0 s1  }
0xc4: {  	[bflag:$0x3] =	sbarrier.arrive $0xFFFF  }
0xc5: {  	_ =	shalt  }

</sc_bundles>
